<compile_context>
chip_gen: v7x
topology: tpu7x:2x2x1
jax: 0.10.2.dev20260603
libtpu: 0.0.44.dev20260713+nightly
codegen_flags: <defaults>
</compile_context>

<pallas_src>
import functools

import jax
import jax.numpy as jnp
from jax import lax
from jax.experimental import pallas as pl
from jax.experimental.pallas import tpu as pltpu
from jax.experimental.pallas import tpu_sc as plsc

N = 8388608
NW = 32
C = N // NW
CH = 8192
NCHUNK = C // CH
VREGS = CH // 16

TBL = 196

ROWS = N // 128
R = 1024
G = ROWS // R


def _pop6(x):
    return (((x >> 0) & 1) + ((x >> 1) & 1) + ((x >> 2) & 1)
            + ((x >> 3) & 1) + ((x >> 4) & 1) + ((x >> 5) & 1))



def _sc_hist_body(q_hbm, mic_hbm, fam_hbm, om_hbm, eff_hbm, out_hbm,
                  qb, mb, fb, ob, vb, tbl, sem):
    wid = lax.axis_index("s") * 2 + lax.axis_index("c")
    base = wid * C
    lane = lax.iota(jnp.int32, 16)
    zeros16 = jnp.zeros((16,), jnp.int32)

    def zbody(i, _):
        tbl[pl.ds(i * 16, 16)] = zeros16
        return 0
    lax.fori_loop(0, TBL, zbody, 0)

    def issue(c, p):
        off = base + c * CH
        pltpu.async_copy(q_hbm.at[pl.ds(off, CH)], qb.at[p], sem.at[p])
        pltpu.async_copy(mic_hbm.at[pl.ds(off, CH)], mb.at[p], sem.at[p])
        pltpu.async_copy(fam_hbm.at[pl.ds(off, CH)], fb.at[p], sem.at[p])
        pltpu.async_copy(om_hbm.at[pl.ds(off, CH)], ob.at[p], sem.at[p])
        pltpu.async_copy(eff_hbm.at[pl.ds(off, CH)], vb.at[p], sem.at[p])

    def drain(c, p):
        off = base + c * CH
        pltpu.make_async_copy(q_hbm.at[pl.ds(off, CH)], qb.at[p], sem.at[p]).wait()
        pltpu.make_async_copy(mic_hbm.at[pl.ds(off, CH)], mb.at[p], sem.at[p]).wait()
        pltpu.make_async_copy(fam_hbm.at[pl.ds(off, CH)], fb.at[p], sem.at[p]).wait()
        pltpu.make_async_copy(om_hbm.at[pl.ds(off, CH)], ob.at[p], sem.at[p]).wait()
        pltpu.make_async_copy(eff_hbm.at[pl.ds(off, CH)], vb.at[p], sem.at[p]).wait()

    issue(0, 0)

    def chunk_body(c, _):
        p = c & 1

        @pl.when(c + 1 < NCHUNK)
        def _():
            issue(c + 1, 1 - p)

        drain(c, p)

        @plsc.parallel_loop(0, VREGS, unroll=16)
        def vbody(i):
            s = pl.ds(i * 16, 16)
            eff = vb[p, s]
            q6 = qb[p, s] * 16 + lane
            plsc.addupdate_scatter(tbl, [q6], eff)
            m6 = mb[p, s] * 16 + lane + 64 * 16
            plsc.addupdate_scatter(tbl, [m6], eff)
            om = ob[p, s]
            ch = (((om >> 6) ^ om) & 63) * 16 + lane + 128 * 16
            plsc.addupdate_scatter(tbl, [ch], eff)
            f2 = fb[p, s] * 16 + lane + 192 * 16
            plsc.addupdate_scatter(tbl, [f2], eff)
        return 0
    lax.fori_loop(0, NCHUNK, chunk_body, 0)

    pltpu.sync_copy(tbl, out_hbm.at[wid])


@functools.cache
def _sc_hist_fn():
    return pl.kernel(
        _sc_hist_body,
        out_type=jax.ShapeDtypeStruct((NW, TBL * 16), jnp.int32),
        mesh=plsc.VectorSubcoreMesh(core_axis_name="c", subcore_axis_name="s"),
        compiler_params=pltpu.CompilerParams(needs_layout_passes=False),
        scratch_types=[
            pltpu.VMEM((2, CH), jnp.int32),
            pltpu.VMEM((2, CH), jnp.int32),
            pltpu.VMEM((2, CH), jnp.int32),
            pltpu.VMEM((2, CH), jnp.int32),
            pltpu.VMEM((2, CH), jnp.int32),
            pltpu.VMEM((TBL * 16,), jnp.int32),
            pltpu.SemaphoreType.DMA((2,)),
        ],
    )


def _sc_hist(*args):
    return _sc_hist_fn()(*args)



def _tc_combined_body(bl_ref, q_ref, f_ref, om_ref, v_ref,
                      qn_ref, fn_ref, on_ref, out_ref):
    om = om_ref[...]
    ch = ((om >> 6) ^ om) & 63
    w = q_ref[...] | (f_ref[...] << 6) | (ch << 8)
    omn = on_ref[...]
    chn8 = ((omn >> 6) ^ omn) & 63
    wn8 = qn_ref[...] | (fn_ref[...] << 6) | (chn8 << 8)
    eff = v_ref[...] != 0

    is_last = pl.program_id(0) == pl.num_programs(0) - 1
    row = lax.broadcasted_iota(jnp.int32, (R, 128), 0)
    lanei = lax.broadcasted_iota(jnp.int32, (R, 128), 1)
    lastmask = (row == R - 1) & (lanei == 127)

    rolled = pltpu.roll(w, 127, 1)
    b = jnp.concatenate([w[1:], wn8[0:1]], axis=0)
    col0 = jnp.broadcast_to(b[:, 0:1], (R, 128))
    wn = jnp.where(lanei == 127, col0, rolled)
    wn = jnp.where(lastmask & is_last, 0, wn)

    x = w ^ wn
    dq = lax.population_count(x & 63).astype(jnp.float32) * (1.0 / 6.0)
    dfam = lax.population_count((x >> 6) & 3).astype(jnp.float32) * 0.5
    dch = jnp.clip(lax.population_count(x >> 8).astype(jnp.float32) * (1.0 / 6.0),
                   0.0, 1.0)
    score = jnp.clip(0.5 * dch + 0.35 * dq + 0.15 * dfam, 1e-6, 1.0)
    structural = jnp.where(eff, score, 0.0)
    cosine = jnp.exp(jnp.minimum(bl_ref[...], 0.0))
    out_ref[...] = jnp.clip(0.5 * cosine + 0.5 * structural, 1e-6, 1.0 - 1e-6)


def _tc_combined(bl2, q2, f2, om2, v2):
    blk = pl.BlockSpec((R, 128), lambda i: (i, 0))
    nblk = pl.BlockSpec((8, 128), lambda i: ((i + 1) * (R // 8), 0))
    return pl.pallas_call(
        _tc_combined_body,
        grid=(G,),
        in_specs=[blk, blk, blk, blk, blk, nblk, nblk, nblk],
        out_specs=blk,
        out_shape=jax.ShapeDtypeStruct((ROWS, 128), jnp.float32),
    )(bl2, q2, f2, om2, v2, q2, f2, om2)



def _tc_fold_body(p_ref, q_ref, f_ref, m_ref, s_ref, w_ref, b_ref):
    tot = jnp.sum(p_ref[...], axis=1, keepdims=True)
    q64 = tot[0:64]
    m64 = tot[64:128]
    c64 = tot[128:192]
    q_ref[...] = q64
    m_ref[...] = m64
    f_ref[...] = tot[192:196]

    bi7 = lax.broadcasted_iota(jnp.int32, (64, 7), 0)
    si7 = lax.broadcasted_iota(jnp.int32, (64, 7), 1)
    pop7 = _pop6(bi7)
    qb7 = jnp.broadcast_to(q64, (64, 7))
    cb7 = jnp.broadcast_to(c64, (64, 7))
    s_ref[...] = jnp.sum(jnp.where(pop7 == si7, cb7, 0), axis=0, keepdims=True)
    w_ref[...] = jnp.sum(jnp.where(pop7 == si7, qb7, 0), axis=0, keepdims=True)

    bi6 = lax.broadcasted_iota(jnp.int32, (64, 6), 0)
    si6 = lax.broadcasted_iota(jnp.int32, (64, 6), 1)
    qb6 = jnp.broadcast_to(q64, (64, 6))
    b_ref[...] = jnp.sum(jnp.where(((bi6 >> si6) & 1) != 0, qb6, 0),
                         axis=0, keepdims=True)


def _tc_fold(partial):
    pfold = jnp.transpose(partial.reshape(NW, TBL, 16), (1, 0, 2)).reshape(TBL, NW * 16)
    i32 = jnp.int32
    return pl.pallas_call(
        _tc_fold_body,
        out_shape=(
            jax.ShapeDtypeStruct((64, 1), i32),
            jax.ShapeDtypeStruct((4, 1), i32),
            jax.ShapeDtypeStruct((64, 1), i32),
            jax.ShapeDtypeStruct((1, 7), i32),
            jax.ShapeDtypeStruct((1, 7), i32),
            jax.ShapeDtypeStruct((1, 6), i32),
        ),
    )(pfold)


def kernel(boundary_logprobs, q_class, family, micro_ref, omega12, valid_mask):
    eff32 = valid_mask.astype(jnp.int32)

    partial = _sc_hist(q_class, micro_ref, family, omega12, eff32)

    bl2 = boundary_logprobs.reshape(ROWS, 128)
    q2 = q_class.reshape(ROWS, 128)
    f2 = family.reshape(ROWS, 128)
    om2 = omega12.reshape(ROWS, 128)
    v2 = valid_mask.astype(jnp.int8).reshape(ROWS, 128)
    combined = _tc_combined(bl2, q2, f2, om2, v2).reshape(N)

    qh, fh, mh, sh, wh, bh = _tc_fold(partial)
    return (qh.reshape(64), fh.reshape(4), mh.reshape(64),
            sh.reshape(7), wh.reshape(7), bh.reshape(6), combined)

# --- scband reference (transcript-rebuilt; emitter-appended) ---
"""Pipeline reference for scband-gyro-labe-bolmo-encode-bridge-21071109554588 (READ-ONLY COPY).

The authoritative reference and input builder live on the scoring server;
editing this copy changes nothing except your own understanding.
"""

import jax, jax.numpy as jnp
import numpy as np

_POP6 = jnp.array([bin(i).count('1') for i in range(64)], dtype=jnp.int32)
N = 8388608

def setup_inputs(seed: int = 0) -> dict:
    key = jax.random.key(seed)
    ks = jax.random.split(key, 6)
    boundary_logprobs = -jnp.abs(jax.random.normal(ks[0], (N,), dtype=jnp.float32))
    q_class = jax.random.randint(ks[1], (N,), 0, 64, dtype=jnp.int32)
    family = jax.random.randint(ks[2], (N,), 0, 4, dtype=jnp.int32)
    micro_ref = jax.random.randint(ks[3], (N,), 0, 64, dtype=jnp.int32)
    omega12 = jax.random.randint(ks[4], (N,), 0, 4096, dtype=jnp.int32)
    valid_mask = jax.random.randint(ks[5], (N,), 0, 2, dtype=jnp.int32).astype(jnp.bool_)
    return {'boundary_logprobs': boundary_logprobs, 'q_class': q_class, 'family': family,
            'micro_ref': micro_ref, 'omega12': omega12, 'valid_mask': valid_mask}

def _masked_hist(vals, mask, bins):
    # route masked-out elements to an overflow bin, then drop it (exact masked bincount)
    routed = jnp.where(mask, vals, bins)
    return jnp.bincount(routed, length=bins + 1)[:bins]

def reference(boundary_logprobs, q_class, family, micro_ref, omega12, valid_mask):
    chirality6 = jnp.bitwise_and(jnp.bitwise_xor(jnp.right_shift(omega12, 6), omega12), 63)
    shell = _POP6[chirality6]
    q6 = jnp.bitwise_and(q_class, 63)
    eff = valid_mask
    # histogram suite (the core of extract_bolmo_encode_fields)
    q_hist64 = _masked_hist(q6, eff, 64)
    family_hist4 = _masked_hist(jnp.bitwise_and(family, 3), eff, 4)
    micro_hist64 = _masked_hist(jnp.bitwise_and(micro_ref, 63), eff, 64)
    shell_hist7 = _masked_hist(shell, eff, 7)
    wt_q = _POP6[q6]
    q_weight_hist7 = _masked_hist(wt_q, eff, 7)
    bits = jnp.stack([jnp.bitwise_and(jnp.right_shift(q6, j), 1) for j in range(6)], axis=0)
    bit_excitation6 = jnp.sum(bits * eff.astype(jnp.int32)[None, :], axis=1)
    # structural boundary probability field (_structural_boundary_probs)
    q_next = jnp.concatenate([q6[1:], jnp.zeros((1,), q6.dtype)])
    d_q = _POP6[jnp.bitwise_xor(q6, jnp.bitwise_and(q_next, 63))].astype(jnp.float32) / 6.0
    fam = jnp.bitwise_and(family, 3)
    fam_next = jnp.concatenate([fam[1:], jnp.zeros((1,), fam.dtype)])
    fam_xor = jnp.bitwise_xor(fam, fam_next)
    d_fam = (((fam_xor & 1) != 0).astype(jnp.float32) + ((fam_xor & 2) != 0).astype(jnp.float32)) / 2.0
    chi_next = jnp.concatenate([chirality6[1:], jnp.zeros((1,), chirality6.dtype)])
    d_chi = _POP6[jnp.bitwise_and(jnp.bitwise_xor(chirality6, chi_next), 63)].astype(jnp.float32)
    d_chi = jnp.clip(d_chi / 6.0, 0.0, 1.0)
    score = 0.5 * d_chi + 0.35 * d_q + 0.15 * d_fam
    score = jnp.clip(score, 1e-6, 1.0)
    structural = jnp.where(eff, score, jnp.zeros_like(score))
    # hybrid boundary combine (predictor path)
    cosine = jnp.exp(jnp.minimum(boundary_logprobs, 0.0))
    combined = jnp.clip(0.5 * cosine + 0.5 * structural, 1e-6, 1.0 - 1e-6)
    return (q_hist64, family_hist4, micro_hist64, shell_hist7, q_weight_hist7, bit_excitation6, combined)

if __name__ == "__main__":
    import jax
    _d = setup_inputs()
    print(jax.jit(kernel)(*tuple(_d.values())))

</pallas_src>

<mosaic_0001>
#map = affine_map<(d0, d1) -> (0)>
#map1 = affine_map<(d0, d1) -> (0, 0)>
module attributes {stable_mosaic.version = 14 : i64} {
  func.func @_sc_hist_body(%arg0: i32, %arg1: i32, %arg2: memref<8388608xi32, #tpu.memory_space<hbm>>, %arg3: memref<8388608xi32, #tpu.memory_space<hbm>>, %arg4: memref<8388608xi32, #tpu.memory_space<hbm>>, %arg5: memref<8388608xi32, #tpu.memory_space<hbm>>, %arg6: memref<8388608xi32, #tpu.memory_space<hbm>>, %arg7: memref<32x3136xi32, #tpu.memory_space<hbm>>, %arg8: memref<2x8192xi32, #tpu.memory_space<vmem>>, %arg9: memref<2x8192xi32, #tpu.memory_space<vmem>>, %arg10: memref<2x8192xi32, #tpu.memory_space<vmem>>, %arg11: memref<2x8192xi32, #tpu.memory_space<vmem>>, %arg12: memref<2x8192xi32, #tpu.memory_space<vmem>>, %arg13: memref<3136xi32, #tpu.memory_space<vmem>>, %arg14: memref<2x!tpu.dma_semaphore, #tpu.memory_space<semaphore_mem>>) attributes {dimension_semantics = [#tpu.dimension_semantics<core_parallel>, #tpu.dimension_semantics<subcore_parallel>], iteration_bounds = array<i64: 2, 16>, scalar_prefetch = 0 : i64, scratch_operands = 7 : i64, tpu.core_type = #tpu.core_type<sc_vector_subcore>, window_params = [{transform_indices = #map}, {transform_indices = #map}, {transform_indices = #map}, {transform_indices = #map}, {transform_indices = #map}, {transform_indices = #map1}]} {
    %mul3A = arith.constant 2 : i32
    %mul3A_0 = arith.muli %arg1, %mul3A : i32
    %add3A = arith.addi %mul3A_0, %arg0 : i32
    %mul3A_1 = arith.constant 262144 : i32
    %mul3A_2 = arith.muli %add3A, %mul3A_1 : i32
    %iota3A = tpu.iota {dimensions = array<i32: 0>} : vector<16xi32>
    %broadcast_in_dim3A = arith.constant 0 : i32
    %broadcast_in_dim3A_3 = vector.broadcast %broadcast_in_dim3A : i32 to vector<16xi32>
    %scan3A = arith.constant 0 : i32
    %scan3A_4 = arith.constant 0 : i32
    %scan3A_5 = arith.constant 196 : i32
    %scan3A_6 = arith.addi %scan3A_4, %scan3A_5 : i32
    %scan3A_7 = arith.constant 1 : i32
    %scan3A_8 = scf.for %scan3A_78 = %scan3A_4 to %scan3A_6 step %scan3A_7 iter_args(%scan3A_79 = %scan3A) -> (i32)  : i32 {
      %mul3A_80 = arith.constant 16 : i32
      %mul3A_81 = arith.muli %scan3A_78, %mul3A_80 : i32
      %swap3A = arith.index_cast %mul3A_81 : i32 to index
      %swap3A_82 = tpu.vector_load %arg13[%swap3A] {strides = array<i32>} : memref<3136xi32, #tpu.memory_space<vmem>>, vector<16xi32>,
      tpu.vector_store %arg13[%swap3A], %broadcast_in_dim3A_3 {strides = array<i32>} : memref<3136xi32, #tpu.memory_space<vmem>>, vector<16xi32>,
      %scan3A_83 = arith.constant 0 : i32
      scf.yield %scan3A_83 : i32
    }
    %scan3A_9 = arith.constant 196 : i32
    %add3A_10 = arith.constant 0 : i32
    %add3A_11 = arith.addi %mul3A_2, %add3A_10 : i32
    %dma_start3A = arith.constant 0 : i32
    %dma_start3A_12 = arith.constant 0 : i32
    %dma_start3A_13 = arith.constant 0 : i32
    %dma_start3A_14 = tpu.memref_slice %arg8[%dma_start3A, %dma_start3A_13] : memref<2x8192xi32, #tpu.memory_space<vmem>> -> memref<1x8192xi32, #tpu.memory_space<vmem>>
    %dma_start3A_15 = tpu.memref_squeeze %dma_start3A_14 : memref<1x8192xi32, #tpu.memory_space<vmem>> -> memref<8192xi32, #tpu.memory_space<vmem>>
    %dma_start3A_16 = tpu.memref_slice %arg2[%add3A_11] : memref<8388608xi32, #tpu.memory_space<hbm>> -> memref<8192xi32, #tpu.memory_space<hbm>>
    %dma_start3A_17 = tpu.memref_slice %arg14[%dma_start3A_12] : memref<2x!tpu.dma_semaphore, #tpu.memory_space<semaphore_mem>> -> memref<1x!tpu.dma_semaphore, #tpu.memory_space<semaphore_mem>>
    %dma_start3A_18 = tpu.memref_squeeze %dma_start3A_17 : memref<1x!tpu.dma_semaphore, #tpu.memory_space<semaphore_mem>> -> memref<!tpu.dma_semaphore, #tpu.memory_space<semaphore_mem>>
    %dma_start3A_19 = arith.constant 0 : i32
    %dma_start3A_20 = tpu.memref_slice %arg8[%dma_start3A, %dma_start3A_19] : memref<2x8192xi32, #tpu.memory_space<vmem>> -> memref<1x8192xi32, #tpu.memory_space<vmem>>
    %dma_start3A_21 = tpu.memref_squeeze %dma_start3A_20 : memref<1x8192xi32, #tpu.memory_space<vmem>> -> memref<8192xi32, #tpu.memory_space<vmem>>
    %dma_start3A_22 = tpu.memref_slice %arg2[%add3A_11] : memref<8388608xi32, #tpu.memory_space<hbm>> -> memref<8192xi32, #tpu.memory_space<hbm>>
    tpu.enqueue_dma source(%dma_start3A_22 : memref<8192xi32, #tpu.memory_space<hbm>>) target(%dma_start3A_21 : memref<8192xi32, #tpu.memory_space<vmem>>) target_semaphore(%dma_start3A_18 : memref<!tpu.dma_semaphore, #tpu.memory_space<semaphore_mem>>)
    %dma_start3A_23 = arith.constant 0 : i32
    %dma_start3A_24 = arith.constant 0 : i32
    %dma_start3A_25 = arith.constant 0 : i32
    %dma_start3A_26 = tpu.memref_slice %arg9[%dma_start3A_23, %dma_start3A_25] : memref<2x8192xi32, #tpu.memory_space<vmem>> -> memref<1x8192xi32, #tpu.memory_space<vmem>>
    %dma_start3A_27 = tpu.memref_squeeze %dma_start3A_26 : memref<1x8192xi32, #tpu.memory_space<vmem>> -> memref<8192xi32, #tpu.memory_space<vmem>>
    %dma_start3A_28 = tpu.memref_slice %arg3[%add3A_11] : memref<8388608xi32, #tpu.memory_space<hbm>> -> memref<8192xi32, #tpu.memory_space<hbm>>
    %dma_start3A_29 = tpu.memref_slice %arg14[%dma_start3A_24] : memref<2x!tpu.dma_semaphore, #tpu.memory_space<semaphore_mem>> -> memref<1x!tpu.dma_semaphore, #tpu.memory_space<semaphore_mem>>
    %dma_start3A_30 = tpu.memref_squeeze %dma_start3A_29 : memref<1x!tpu.dma_semaphore, #tpu.memory_space<semaphore_mem>> -> memref<!tpu.dma_semaphore, #tpu.memory_space<semaphore_mem>>
    %dma_start3A_31 = arith.constant 0 : i32
    %dma_start3A_32 = tpu.memref_slice %arg9[%dma_start3A_23, %dma_start3A_31] : memref<2x8192xi32, #tpu.memory_space<vmem>> -> memref<1x8192xi32, #tpu.memory_space<vmem>>
    %dma_start3A_33 = tpu.memref_squeeze %dma_start3A_32 : memref<1x8192xi32, #tpu.memory_space<vmem>> -> memref<8192xi32, #tpu.memory_space<vmem>>
    %dma_start3A_34 = tpu.memref_slice %arg3[%add3A_11] : memref<8388608xi32, #tpu.memory_space<hbm>> -> memref<8192xi32, #tpu.memory_space<hbm>>
    tpu.enqueue_dma source(%dma_start3A_34 : memref<8192xi32, #tpu.memory_space<hbm>>) target(%dma_start3A_33 : memref<8192xi32, #tpu.memory_space<vmem>>) target_semaphore(%dma_start3A_30 : memref<!tpu.dma_semaphore, #tpu.memory_space<semaphore_mem>>)
    %dma_start3A_35 = arith.constant 0 : i32
    %dma_start3A_36 = arith.constant 0 : i32
    %dma_start3A_37 = arith.constant 0 : i32
    %dma_start3A_38 = tpu.memref_slice %arg10[%dma_start3A_35, %dma_start3A_37] : memref<2x8192xi32, #tpu.memory_space<vmem>> -> memref<1x8192xi32, #tpu.memory_space<vmem>>
    %dma_start3A_39 = tpu.memref_squeeze %dma_start3A_38 : memref<1x8192xi32, #tpu.memory_space<vmem>> -> memref<8192xi32, #tpu.memory_space<vmem>>
    %dma_start3A_40 = tpu.memref_slice %arg4[%add3A_11] : memref<8388608xi32, #tpu.memory_space<hbm>> -> memref<8192xi32, #tpu.memory_space<hbm>>
    %dma_start3A_41 = tpu.memref_slice %arg14[%dma_start3A_36] : memref<2x!tpu.dma_semaphore, #tpu.memory_space<semaphore_mem>> -> memref<1x!tpu.dma_semaphore, #tpu.memory_space<semaphore_mem>>
    %dma_start3A_42 = tpu.memref_squeeze %dma_start3A_41 : memref<1x!tpu.dma_semaphore, #tpu.memory_space<semaphore_mem>> -> memref<!tpu.dma_semaphore, #tpu.memory_space<semaphore_mem>>
    %dma_start3A_43 = arith.constant 0 : i32
    %dma_start3A_44 = tpu.memref_slice %arg10[%dma_start3A_35, %dma_start3A_43] : memref<2x8192xi32, #tpu.memory_space<vmem>> -> memref<1x8192xi32, #tpu.memory_space<vmem>>
    %dma_start3A_45 = tpu.memref_squeeze %dma_start3A_44 : memref<1x8192xi32, #tpu.memory_space<vmem>> -> memref<8192xi32, #tpu.memory_space<vmem>>
    %dma_start3A_46 = tpu.memref_slice %arg4[%add3A_11] : memref<8388608xi32, #tpu.memory_space<hbm>> -> memref<8192xi32, #tpu.memory_space<hbm>>
    tpu.enqueue_dma source(%dma_start3A_46 : memref<8192xi32, #tpu.memory_space<hbm>>) target(%dma_start3A_45 : memref<8192xi32, #tpu.memory_space<vmem>>) target_semaphore(%dma_start3A_42 : memref<!tpu.dma_semaphore, #tpu.memory_space<semaphore_mem>>)
    %dma_start3A_47 = arith.constant 0 : i32
    %dma_start3A_48 = arith.constant 0 : i32
    %dma_start3A_49 = arith.constant 0 : i32
    %dma_start3A_50 = tpu.memref_slice %arg11[%dma_start3A_47, %dma_start3A_49] : memref<2x8192xi32, #tpu.memory_space<vmem>> -> memref<1x8192xi32, #tpu.memory_space<vmem>>
    %dma_start3A_51 = tpu.memref_squeeze %dma_start3A_50 : memref<1x8192xi32, #tpu.memory_space<vmem>> -> memref<8192xi32, #tpu.memory_space<vmem>>
    %dma_start3A_52 = tpu.memref_slice %arg5[%add3A_11] : memref<8388608xi32, #tpu.memory_space<hbm>> -> memref<8192xi32, #tpu.memory_space<hbm>>
    %dma_start3A_53 = tpu.memref_slice %arg14[%dma_start3A_48] : memref<2x!tpu.dma_semaphore, #tpu.memory_space<semaphore_mem>> -> memref<1x!tpu.dma_semaphore, #tpu.memory_space<semaphore_mem>>
    %dma_start3A_54 = tpu.memref_squeeze %dma_start3A_53 : memref<1x!tpu.dma_semaphore, #tpu.memory_space<semaphore_mem>> -> memref<!tpu.dma_semaphore, #tpu.memory_space<semaphore_mem>>
    %dma_start3A_55 = arith.constant 0 : i32
    %dma_start3A_56 = tpu.memref_slice %arg11[%dma_start3A_47, %dma_start3A_55] : memref<2x8192xi32, #tpu.memory_space<vmem>> -> memref<1x8192xi32, #tpu.memory_space<vmem>>
    %dma_start3A_57 = tpu.memref_squeeze %dma_start3A_56 : memref<1x8192xi32, #tpu.memory_space<vmem>> -> memref<8192xi32, #tpu.memory_space<vmem>>
    %dma_start3A_58 = tpu.memref_slice %arg5[%add3A_11] : memref<8388608xi32, #tpu.memory_space<hbm>> -> memref<8192xi32, #tpu.memory_space<hbm>>
    tpu.enqueue_dma source(%dma_start3A_58 : memref<8192xi32, #tpu.memory_space<hbm>>) target(%dma_start3A_57 : memref<8192xi32, #tpu.memory_space<vmem>>) target_semaphore(%dma_start3A_54 : memref<!tpu.dma_semaphore, #tpu.memory_space<semaphore_mem>>)
    %dma_start3A_59 = arith.constant 0 : i32
    %dma_start3A_60 = arith.constant 0 : i32
    %dma_start3A_61 = arith.constant 0 : i32
    %dma_start3A_62 = tpu.memref_slice %arg12[%dma_start3A_59, %dma_start3A_61] : memref<2x8192xi32, #tpu.memory_space<vmem>> -> memref<1x8192xi32, #tpu.memory_space<vmem>>
    %dma_start3A_63 = tpu.memref_squeeze %dma_start3A_62 : memref<1x8192xi32, #tpu.memory_space<vmem>> -> memref<8192xi32, #tpu.memory_space<vmem>>
    %dma_start3A_64 = tpu.memref_slice %arg6[%add3A_11] : memref<8388608xi32, #tpu.memory_space<hbm>> -> memref<8192xi32, #tpu.memory_space<hbm>>
    %dma_start3A_65 = tpu.memref_slice %arg14[%dma_start3A_60] : memref<2x!tpu.dma_semaphore, #tpu.memory_space<semaphore_mem>> -> memref<1x!tpu.dma_semaphore, #tpu.memory_space<semaphore_mem>>
    %dma_start3A_66 = tpu.memref_squeeze %dma_start3A_65 : memref<1x!tpu.dma_semaphore, #tpu.memory_space<semaphore_mem>> -> memref<!tpu.dma_semaphore, #tpu.memory_space<semaphore_mem>>
    %dma_start3A_67 = arith.constant 0 : i32
    %dma_start3A_68 = tpu.memref_slice %arg12[%dma_start3A_59, %dma_start3A_67] : memref<2x8192xi32, #tpu.memory_space<vmem>> -> memref<1x8192xi32, #tpu.memory_space<vmem>>
    %dma_start3A_69 = tpu.memref_squeeze %dma_start3A_68 : memref<1x8192xi32, #tpu.memory_space<vmem>> -> memref<8192xi32, #tpu.memory_space<vmem>>
    %dma_start3A_70 = tpu.memref_slice %arg6[%add3A_11] : memref<8388608xi32, #tpu.memory_space<hbm>> -> memref<8192xi32, #tpu.memory_space<hbm>>
    tpu.enqueue_dma source(%dma_start3A_70 : memref<8192xi32, #tpu.memory_space<hbm>>) target(%dma_start3A_69 : memref<8192xi32, #tpu.memory_space<vmem>>) target_semaphore(%dma_start3A_66 : memref<!tpu.dma_semaphore, #tpu.memory_space<semaphore_mem>>)
    %scan3A_71 = arith.constant 0 : i32
    %scan3A_72 = arith.constant 0 : i32
    %scan3A_73 = arith.constant 32 : i32
    %scan3A_74 = arith.addi %scan3A_72, %scan3A_73 : i32
    %scan3A_75 = arith.constant 1 : i32
    %scan3A_76 = scf.for %scan3A_78 = %scan3A_72 to %scan3A_74 step %scan3A_75 iter_args(%scan3A_79 = %scan3A_71) -> (i32)  : i32 {
      %and3A = arith.constant 1 : i32
      %and3A_80 = arith.andi %scan3A_78, %and3A : i32
      %add3A_81 = arith.constant 1 : i32
      %add3A_82 = arith.addi %scan3A_78, %add3A_81 : i32
      %lt3A = arith.constant 32 : i32
      %lt3A_83 = arith.cmpi slt, %add3A_82, %lt3A : i32
      %convert_element_type3A = arith.extui %lt3A_83 : i1 to i32
      %cond3A = arith.constant 0 : i32
      %cond3A_84 = arith.cmpi ne, %convert_element_type3A, %cond3A : i32
      scf.if %cond3A_84 {
        %add3A_140 = arith.constant 1 : i32
        %add3A_141 = arith.addi %scan3A_78, %add3A_140 : i32
        %sub3A = arith.constant 1 : i32
        %sub3A_142 = arith.subi %sub3A, %and3A_80 : i32
        %mul3A_143 = arith.constant 8192 : i32
        %mul3A_144 = arith.muli %add3A_141, %mul3A_143 : i32
        %add3A_145 = arith.addi %mul3A_2, %mul3A_144 : i32
        %dma_start3A_146 = arith.constant 0 : i32
        %dma_start3A_147 = tpu.memref_slice %arg8[%sub3A_142, %dma_start3A_146] : memref<2x8192xi32, #tpu.memory_space<vmem>> -> memref<1x8192xi32, #tpu.memory_space<vmem>>
        %dma_start3A_148 = tpu.memref_squeeze %dma_start3A_147 : memref<1x8192xi32, #tpu.memory_space<vmem>> -> memref<8192xi32, #tpu.memory_space<vmem>>
        %dma_start3A_149 = tpu.memref_slice %arg2[%add3A_145] : memref<8388608xi32, #tpu.memory_space<hbm>> -> memref<8192xi32, #tpu.memory_space<hbm>>
        %dma_start3A_150 = tpu.memref_slice %arg14[%sub3A_142] : memref<2x!tpu.dma_semaphore, #tpu.memory_space<semaphore_mem>> -> memref<1x!tpu.dma_semaphore, #tpu.memory_space<semaphore_mem>>
        %dma_start3A_151 = tpu.memref_squeeze %dma_start3A_150 : memref<1x!tpu.dma_semaphore, #tpu.memory_space<semaphore_mem>> -> memref<!tpu.dma_semaphore, #tpu.memory_space<semaphore_mem>>
        %dma_start3A_152 = arith.constant 0 : i32
        %dma_start3A_153 = tpu.memref_slice %arg8[%sub3A_142, %dma_start3A_152] : memref<2x8192xi32, #tpu.memory_space<vmem>> -> memref<1x8192xi32, #tpu.memory_space<vmem>>
        %dma_start3A_154 = tpu.memref_squeeze %dma_start3A_153 : memref<1x8192xi32, #tpu.memory_space<vmem>> -> memref<8192xi32, #tpu.memory_space<vmem>>
        %dma_start3A_155 = tpu.memref_slice %arg2[%add3A_145] : memref<8388608xi32, #tpu.memory_space<hbm>> -> memref<8192xi32, #tpu.memory_space<hbm>>
        tpu.enqueue_dma source(%dma_start3A_155 : memref<8192xi32, #tpu.memory_space<hbm>>) target(%dma_start3A_154 : memref<8192xi32, #tpu.memory_space<vmem>>) target_semaphore(%dma_start3A_151 : memref<!tpu.dma_semaphore, #tpu.memory_space<semaphore_mem>>)
        %dma_start3A_156 = arith.constant 0 : i32
        %dma_start3A_157 = tpu.memref_slice %arg9[%sub3A_142, %dma_start3A_156] : memref<2x8192xi32, #tpu.memory_space<vmem>> -> memref<1x8192xi32, #tpu.memory_space<vmem>>
        %dma_start3A_158 = tpu.memref_squeeze %dma_start3A_157 : memref<1x8192xi32, #tpu.memory_space<vmem>> -> memref<8192xi32, #tpu.memory_space<vmem>>
        %dma_start3A_159 = tpu.memref_slice %arg3[%add3A_145] : memref<8388608xi32, #tpu.memory_space<hbm>> -> memref<8192xi32, #tpu.memory_space<hbm>>
        %dma_start3A_160 = tpu.memref_slice %arg14[%sub3A_142] : memref<2x!tpu.dma_semaphore, #tpu.memory_space<semaphore_mem>> -> memref<1x!tpu.dma_semaphore, #tpu.memory_space<semaphore_mem>>
        %dma_start3A_161 = tpu.memref_squeeze %dma_start3A_160 : memref<1x!tpu.dma_semaphore, #tpu.memory_space<semaphore_mem>> -> memref<!tpu.dma_semaphore, #tpu.memory_space<semaphore_mem>>
        %dma_start3A_162 = arith.constant 0 : i32
        %dma_start3A_163 = tpu.memref_slice %arg9[%sub3A_142, %dma_start3A_162] : memref<2x8192xi32, #tpu.memory_space<vmem>> -> memref<1x8192xi32, #tpu.memory_space<vmem>>
        %dma_start3A_164 = tpu.memref_squeeze %dma_start3A_163 : memref<1x8192xi32, #tpu.memory_space<vmem>> -> memref<8192xi32, #tpu.memory_space<vmem>>
        %dma_start3A_165 = tpu.memref_slice %arg3[%add3A_145] : memref<8388608xi32, #tpu.memory_space<hbm>> -> memref<8192xi32, #tpu.memory_space<hbm>>
        tpu.enqueue_dma source(%dma_start3A_165 : memref<8192xi32, #tpu.memory_space<hbm>>) target(%dma_start3A_164 : memref<8192xi32, #tpu.memory_space<vmem>>) target_semaphore(%dma_start3A_161 : memref<!tpu.dma_semaphore, #tpu.memory_space<semaphore_mem>>)
        %dma_start3A_166 = arith.constant 0 : i32
        %dma_start3A_167 = tpu.memref_slice %arg10[%sub3A_142, %dma_start3A_166] : memref<2x8192xi32, #tpu.memory_space<vmem>> -> memref<1x8192xi32, #tpu.memory_space<vmem>>
        %dma_start3A_168 = tpu.memref_squeeze %dma_start3A_167 : memref<1x8192xi32, #tpu.memory_space<vmem>> -> memref<8192xi32, #tpu.memory_space<vmem>>
        %dma_start3A_169 = tpu.memref_slice %arg4[%add3A_145] : memref<8388608xi32, #tpu.memory_space<hbm>> -> memref<8192xi32, #tpu.memory_space<hbm>>
        %dma_start3A_170 = tpu.memref_slice %arg14[%sub3A_142] : memref<2x!tpu.dma_semaphore, #tpu.memory_space<semaphore_mem>> -> memref<1x!tpu.dma_semaphore, #tpu.memory_space<semaphore_mem>>
        %dma_start3A_171 = tpu.memref_squeeze %dma_start3A_170 : memref<1x!tpu.dma_semaphore, #tpu.memory_space<semaphore_mem>> -> memref<!tpu.dma_semaphore, #tpu.memory_space<semaphore_mem>>
        %dma_start3A_172 = arith.constant 0 : i32
        %dma_start3A_173 = tpu.memref_slice %arg10[%sub3A_142, %dma_start3A_172] : memref<2x8192xi32, #tpu.memory_space<vmem>> -> memref<1x8192xi32, #tpu.memory_space<vmem>>
        %dma_start3A_174 = tpu.memref_squeeze %dma_start3A_173 : memref<1x8192xi32, #tpu.memory_space<vmem>> -> memref<8192xi32, #tpu.memory_space<vmem>>
        %dma_start3A_175 = tpu.memref_slice %arg4[%add3A_145] : memref<8388608xi32, #tpu.memory_space<hbm>> -> memref<8192xi32, #tpu.memory_space<hbm>>
        tpu.enqueue_dma source(%dma_start3A_175 : memref<8192xi32, #tpu.memory_space<hbm>>) target(%dma_start3A_174 : memref<8192xi32, #tpu.memory_space<vmem>>) target_semaphore(%dma_start3A_171 : memref<!tpu.dma_semaphore, #tpu.memory_space<semaphore_mem>>)
        %dma_start3A_176 = arith.constant 0 : i32
        %dma_start3A_177 = tpu.memref_slice %arg11[%sub3A_142, %dma_start3A_176] : memref<2x8192xi32, #tpu.memory_space<vmem>> -> memref<1x8192xi32, #tpu.memory_space<vmem>>
        %dma_start3A_178 = tpu.memref_squeeze %dma_start3A_177 : memref<1x8192xi32, #tpu.memory_space<vmem>> -> memref<8192xi32, #tpu.memory_space<vmem>>
        %dma_start3A_179 = tpu.memref_slice %arg5[%add3A_145] : memref<8388608xi32, #tpu.memory_space<hbm>> -> memref<8192xi32, #tpu.memory_space<hbm>>
        %dma_start3A_180 = tpu.memref_slice %arg14[%sub3A_142] : memref<2x!tpu.dma_semaphore, #tpu.memory_space<semaphore_mem>> -> memref<1x!tpu.dma_semaphore, #tpu.memory_space<semaphore_mem>>
        %dma_start3A_181 = tpu.memref_squeeze %dma_start3A_180 : memref<1x!tpu.dma_semaphore, #tpu.memory_space<semaphore_mem>> -> memref<!tpu.dma_semaphore, #tpu.memory_space<semaphore_mem>>
        %dma_start3A_182 = arith.constant 0 : i32
        %dma_start3A_183 = tpu.memref_slice %arg11[%sub3A_142, %dma_start3A_182] : memref<2x8192xi32, #tpu.memory_space<vmem>> -> memref<1x8192xi32, #tpu.memory_space<vmem>>
        %dma_start3A_184 = tpu.memref_squeeze %dma_start3A_183 : memref<1x8192xi32, #tpu.memory_space<vmem>> -> memref<8192xi32, #tpu.memory_space<vmem>>
        %dma_start3A_185 = tpu.memref_slice %arg5[%add3A_145] : memref<8388608xi32, #tpu.memory_space<hbm>> -> memref<8192xi32, #tpu.memory_space<hbm>>
        tpu.enqueue_dma source(%dma_start3A_185 : memref<8192xi32, #tpu.memory_space<hbm>>) target(%dma_start3A_184 : memref<8192xi32, #tpu.memory_space<vmem>>) target_semaphore(%dma_start3A_181 : memref<!tpu.dma_semaphore, #tpu.memory_space<semaphore_mem>>)
        %dma_start3A_186 = arith.constant 0 : i32
        %dma_start3A_187 = tpu.memref_slice %arg12[%sub3A_142, %dma_start3A_186] : memref<2x8192xi32, #tpu.memory_space<vmem>> -> memref<1x8192xi32, #tpu.memory_space<vmem>>
        %dma_start3A_188 = tpu.memref_squeeze %dma_start3A_187 : memref<1x8192xi32, #tpu.memory_space<vmem>> -> memref<8192xi32, #tpu.memory_space<vmem>>
        %dma_start3A_189 = tpu.memref_slice %arg6[%add3A_145] : memref<8388608xi32, #tpu.memory_space<hbm>> -> memref<8192xi32, #tpu.memory_space<hbm>>
        %dma_start3A_190 = tpu.memref_slice %arg14[%sub3A_142] : memref<2x!tpu.dma_semaphore, #tpu.memory_space<semaphore_mem>> -> memref<1x!tpu.dma_semaphore, #tpu.memory_space<semaphore_mem>>
        %dma_start3A_191 = tpu.memref_squeeze %dma_start3A_190 : memref<1x!tpu.dma_semaphore, #tpu.memory_space<semaphore_mem>> -> memref<!tpu.dma_semaphore, #tpu.memory_space<semaphore_mem>>
        %dma_start3A_192 = arith.constant 0 : i32
        %dma_start3A_193 = tpu.memref_slice %arg12[%sub3A_142, %dma_start3A_192] : memref<2x8192xi32, #tpu.memory_space<vmem>> -> memref<1x8192xi32, #tpu.memory_space<vmem>>
        %dma_start3A_194 = tpu.memref_squeeze %dma_start3A_193 : memref<1x8192xi32, #tpu.memory_space<vmem>> -> memref<8192xi32, #tpu.memory_space<vmem>>
        %dma_start3A_195 = tpu.memref_slice %arg6[%add3A_145] : memref<8388608xi32, #tpu.memory_space<hbm>> -> memref<8192xi32, #tpu.memory_space<hbm>>
        tpu.enqueue_dma source(%dma_start3A_195 : memref<8192xi32, #tpu.memory_space<hbm>>) target(%dma_start3A_194 : memref<8192xi32, #tpu.memory_space<vmem>>) target_semaphore(%dma_start3A_191 : memref<!tpu.dma_semaphore, #tpu.memory_space<semaphore_mem>>)
      } else {
      }
      %mul3A_85 = arith.constant 8192 : i32
      %mul3A_86 = arith.muli %scan3A_78, %mul3A_85 : i32
      %add3A_87 = arith.addi %mul3A_2, %mul3A_86 : i32
      %dma_wait3A = arith.constant 0 : i32
      %dma_wait3A_88 = tpu.memref_slice %arg8[%and3A_80, %dma_wait3A] : memref<2x8192xi32, #tpu.memory_space<vmem>> -> memref<1x8192xi32, #tpu.memory_space<vmem>>
      %dma_wait3A_89 = tpu.memref_squeeze %dma_wait3A_88 : memref<1x8192xi32, #tpu.memory_space<vmem>> -> memref<8192xi32, #tpu.memory_space<vmem>>
      %dma_wait3A_90 = tpu.memref_slice %arg2[%add3A_87] : memref<8388608xi32, #tpu.memory_space<hbm>> -> memref<8192xi32, #tpu.memory_space<hbm>>
      %dma_wait3A_91 = tpu.memref_slice %arg14[%and3A_80] : memref<2x!tpu.dma_semaphore, #tpu.memory_space<semaphore_mem>> -> memref<1x!tpu.dma_semaphore, #tpu.memory_space<semaphore_mem>>
      %dma_wait3A_92 = tpu.memref_squeeze %dma_wait3A_91 : memref<1x!tpu.dma_semaphore, #tpu.memory_space<semaphore_mem>> -> memref<!tpu.dma_semaphore, #tpu.memory_space<semaphore_mem>>
      %dma_wait3A_93 = arith.constant 0 : i32
      %dma_wait3A_94 = tpu.memref_slice %arg8[%and3A_80, %dma_wait3A_93] : memref<2x8192xi32, #tpu.memory_space<vmem>> -> memref<1x8192xi32, #tpu.memory_space<vmem>>
      %dma_wait3A_95 = tpu.memref_squeeze %dma_wait3A_94 : memref<1x8192xi32, #tpu.memory_space<vmem>> -> memref<8192xi32, #tpu.memory_space<vmem>>
      %dma_wait3A_96 = tpu.memref_slice %arg2[%add3A_87] : memref<8388608xi32, #tpu.memory_space<hbm>> -> memref<8192xi32, #tpu.memory_space<hbm>>
      tpu.wait_dma2 semaphore(%dma_wait3A_92 : memref<!tpu.dma_semaphore, #tpu.memory_space<semaphore_mem>>) src(%dma_wait3A_96 : memref<8192xi32, #tpu.memory_space<hbm>>) dst(%dma_wait3A_95 : memref<8192xi32, #tpu.memory_space<vmem>>)
      %dma_wait3A_97 = arith.constant 0 : i32
      %dma_wait3A_98 = tpu.memref_slice %arg9[%and3A_80, %dma_wait3A_97] : memref<2x8192xi32, #tpu.memory_space<vmem>> -> memref<1x8192xi32, #tpu.memory_space<vmem>>
      %dma_wait3A_99 = tpu.memref_squeeze %dma_wait3A_98 : memref<1x8192xi32, #tpu.memory_space<vmem>> -> memref<8192xi32, #tpu.memory_space<vmem>>
      %dma_wait3A_100 = tpu.memref_slice %arg3[%add3A_87] : memref<8388608xi32, #tpu.memory_space<hbm>> -> memref<8192xi32, #tpu.memory_space<hbm>>
      %dma_wait3A_101 = tpu.memref_slice %arg14[%and3A_80] : memref<2x!tpu.dma_semaphore, #tpu.memory_space<semaphore_mem>> -> memref<1x!tpu.dma_semaphore, #tpu.memory_space<semaphore_mem>>
      %dma_wait3A_102 = tpu.memref_squeeze %dma_wait3A_101 : memref<1x!tpu.dma_semaphore, #tpu.memory_space<semaphore_mem>> -> memref<!tpu.dma_semaphore, #tpu.memory_space<semaphore_mem>>
      %dma_wait3A_103 = arith.constant 0 : i32
      %dma_wait3A_104 = tpu.memref_slice %arg9[%and3A_80, %dma_wait3A_103] : memref<2x8192xi32, #tpu.memory_space<vmem>> -> memref<1x8192xi32, #tpu.memory_space<vmem>>
      %dma_wait3A_105 = tpu.memref_squeeze %dma_wait3A_104 : memref<1x8192xi32, #tpu.memory_space<vmem>> -> memref<8192xi32, #tpu.memory_space<vmem>>
      %dma_wait3A_106 = tpu.memref_slice %arg3[%add3A_87] : memref<8388608xi32, #tpu.memory_space<hbm>> -> memref<8192xi32, #tpu.memory_space<hbm>>
      tpu.wait_dma2 semaphore(%dma_wait3A_102 : memref<!tpu.dma_semaphore, #tpu.memory_space<semaphore_mem>>) src(%dma_wait3A_106 : memref<8192xi32, #tpu.memory_space<hbm>>) dst(%dma_wait3A_105 : memref<8192xi32, #tpu.memory_space<vmem>>)
      %dma_wait3A_107 = arith.constant 0 : i32
      %dma_wait3A_108 = tpu.memref_slice %arg10[%and3A_80, %dma_wait3A_107] : memref<2x8192xi32, #tpu.memory_space<vmem>> -> memref<1x8192xi32, #tpu.memory_space<vmem>>
      %dma_wait3A_109 = tpu.memref_squeeze %dma_wait3A_108 : memref<1x8192xi32, #tpu.memory_space<vmem>> -> memref<8192xi32, #tpu.memory_space<vmem>>
      %dma_wait3A_110 = tpu.memref_slice %arg4[%add3A_87] : memref<8388608xi32, #tpu.memory_space<hbm>> -> memref<8192xi32, #tpu.memory_space<hbm>>
      %dma_wait3A_111 = tpu.memref_slice %arg14[%and3A_80] : memref<2x!tpu.dma_semaphore, #tpu.memory_space<semaphore_mem>> -> memref<1x!tpu.dma_semaphore, #tpu.memory_space<semaphore_mem>>
      %dma_wait3A_112 = tpu.memref_squeeze %dma_wait3A_111 : memref<1x!tpu.dma_semaphore, #tpu.memory_space<semaphore_mem>> -> memref<!tpu.dma_semaphore, #tpu.memory_space<semaphore_mem>>
      %dma_wait3A_113 = arith.constant 0 : i32
      %dma_wait3A_114 = tpu.memref_slice %arg10[%and3A_80, %dma_wait3A_113] : memref<2x8192xi32, #tpu.memory_space<vmem>> -> memref<1x8192xi32, #tpu.memory_space<vmem>>
      %dma_wait3A_115 = tpu.memref_squeeze %dma_wait3A_114 : memref<1x8192xi32, #tpu.memory_space<vmem>> -> memref<8192xi32, #tpu.memory_space<vmem>>
      %dma_wait3A_116 = tpu.memref_slice %arg4[%add3A_87] : memref<8388608xi32, #tpu.memory_space<hbm>> -> memref<8192xi32, #tpu.memory_space<hbm>>
      tpu.wait_dma2 semaphore(%dma_wait3A_112 : memref<!tpu.dma_semaphore, #tpu.memory_space<semaphore_mem>>) src(%dma_wait3A_116 : memref<8192xi32, #tpu.memory_space<hbm>>) dst(%dma_wait3A_115 : memref<8192xi32, #tpu.memory_space<vmem>>)
      %dma_wait3A_117 = arith.constant 0 : i32
      %dma_wait3A_118 = tpu.memref_slice %arg11[%and3A_80, %dma_wait3A_117] : memref<2x8192xi32, #tpu.memory_space<vmem>> -> memref<1x8192xi32, #tpu.memory_space<vmem>>
      %dma_wait3A_119 = tpu.memref_squeeze %dma_wait3A_118 : memref<1x8192xi32, #tpu.memory_space<vmem>> -> memref<8192xi32, #tpu.memory_space<vmem>>
      %dma_wait3A_120 = tpu.memref_slice %arg5[%add3A_87] : memref<8388608xi32, #tpu.memory_space<hbm>> -> memref<8192xi32, #tpu.memory_space<hbm>>
      %dma_wait3A_121 = tpu.memref_slice %arg14[%and3A_80] : memref<2x!tpu.dma_semaphore, #tpu.memory_space<semaphore_mem>> -> memref<1x!tpu.dma_semaphore, #tpu.memory_space<semaphore_mem>>
      %dma_wait3A_122 = tpu.memref_squeeze %dma_wait3A_121 : memref<1x!tpu.dma_semaphore, #tpu.memory_space<semaphore_mem>> -> memref<!tpu.dma_semaphore, #tpu.memory_space<semaphore_mem>>
      %dma_wait3A_123 = arith.constant 0 : i32
      %dma_wait3A_124 = tpu.memref_slice %arg11[%and3A_80, %dma_wait3A_123] : memref<2x8192xi32, #tpu.memory_space<vmem>> -> memref<1x8192xi32, #tpu.memory_space<vmem>>
      %dma_wait3A_125 = tpu.memref_squeeze %dma_wait3A_124 : memref<1x8192xi32, #tpu.memory_space<vmem>> -> memref<8192xi32, #tpu.memory_space<vmem>>
      %dma_wait3A_126 = tpu.memref_slice %arg5[%add3A_87] : memref<8388608xi32, #tpu.memory_space<hbm>> -> memref<8192xi32, #tpu.memory_space<hbm>>
      tpu.wait_dma2 semaphore(%dma_wait3A_122 : memref<!tpu.dma_semaphore, #tpu.memory_space<semaphore_mem>>) src(%dma_wait3A_126 : memref<8192xi32, #tpu.memory_space<hbm>>) dst(%dma_wait3A_125 : memref<8192xi32, #tpu.memory_space<vmem>>)
      %dma_wait3A_127 = arith.constant 0 : i32
      %dma_wait3A_128 = tpu.memref_slice %arg12[%and3A_80, %dma_wait3A_127] : memref<2x8192xi32, #tpu.memory_space<vmem>> -> memref<1x8192xi32, #tpu.memory_space<vmem>>
      %dma_wait3A_129 = tpu.memref_squeeze %dma_wait3A_128 : memref<1x8192xi32, #tpu.memory_space<vmem>> -> memref<8192xi32, #tpu.memory_space<vmem>>
      %dma_wait3A_130 = tpu.memref_slice %arg6[%add3A_87] : memref<8388608xi32, #tpu.memory_space<hbm>> -> memref<8192xi32, #tpu.memory_space<hbm>>
      %dma_wait3A_131 = tpu.memref_slice %arg14[%and3A_80] : memref<2x!tpu.dma_semaphore, #tpu.memory_space<semaphore_mem>> -> memref<1x!tpu.dma_semaphore, #tpu.memory_space<semaphore_mem>>
      %dma_wait3A_132 = tpu.memref_squeeze %dma_wait3A_131 : memref<1x!tpu.dma_semaphore, #tpu.memory_space<semaphore_mem>> -> memref<!tpu.dma_semaphore, #tpu.memory_space<semaphore_mem>>
      %dma_wait3A_133 = arith.constant 0 : i32
      %dma_wait3A_134 = tpu.memref_slice %arg12[%and3A_80, %dma_wait3A_133] : memref<2x8192xi32, #tpu.memory_space<vmem>> -> memref<1x8192xi32, #tpu.memory_space<vmem>>
      %dma_wait3A_135 = tpu.memref_squeeze %dma_wait3A_134 : memref<1x8192xi32, #tpu.memory_space<vmem>> -> memref<8192xi32, #tpu.memory_space<vmem>>
      %dma_wait3A_136 = tpu.memref_slice %arg6[%add3A_87] : memref<8388608xi32, #tpu.memory_space<hbm>> -> memref<8192xi32, #tpu.memory_space<hbm>>
      tpu.wait_dma2 semaphore(%dma_wait3A_132 : memref<!tpu.dma_semaphore, #tpu.memory_space<semaphore_mem>>) src(%dma_wait3A_136 : memref<8192xi32, #tpu.memory_space<hbm>>) dst(%dma_wait3A_135 : memref<8192xi32, #tpu.memory_space<vmem>>)
      %parallel_loop3A = arith.constant 0 : i32
      %parallel_loop3A_137 = arith.constant 512 : i32
      %parallel_loop3A_138 = arith.constant 1 : i32
      scf.for %parallel_loop3A_140 = %parallel_loop3A to %parallel_loop3A_137 step %parallel_loop3A_138  : i32 {
        %parallel_loop3A_141 = arith.constant 16 : i32
        %parallel_loop3A_142 = arith.muli %parallel_loop3A_140, %parallel_loop3A_141 : i32
        %parallel_loop3A_143 = arith.index_cast %and3A_80 : i32 to index
        %parallel_loop3A_144 = arith.index_cast %parallel_loop3A_142 : i32 to index
        %parallel_loop3A_145 = tpu.vector_load %arg12[%parallel_loop3A_143, %parallel_loop3A_144] {strides = array<i32>} : memref<2x8192xi32, #tpu.memory_space<vmem>>, vector<16xi32>,
        %parallel_loop3A_146 = arith.index_cast %and3A_80 : i32 to index
        %parallel_loop3A_147 = arith.index_cast %parallel_loop3A_142 : i32 to index
        %parallel_loop3A_148 = tpu.vector_load %arg8[%parallel_loop3A_146, %parallel_loop3A_147] {strides = array<i32>} : memref<2x8192xi32, #tpu.memory_space<vmem>>, vector<16xi32>,
        %parallel_loop3A_149 = arith.constant 16 : i32
        %parallel_loop3A_150 = vector.broadcast %parallel_loop3A_149 : i32 to vector<16xi32>
        %parallel_loop3A_151 = arith.muli %parallel_loop3A_148, %parallel_loop3A_150 : vector<16xi32>
        %parallel_loop3A_152 = arith.addi %parallel_loop3A_151, %iota3A : vector<16xi32>
        tpu.vector_store_idx %arg13[%parallel_loop3A_152], %parallel_loop3A_145 {add = true} : memref<3136xi32, #tpu.memory_space<vmem>>[vector<16xi32>], vector<16xi32>,
        %parallel_loop3A_153 = arith.index_cast %and3A_80 : i32 to index
        %parallel_loop3A_154 = arith.index_cast %parallel_loop3A_142 : i32 to index
        %parallel_loop3A_155 = tpu.vector_load %arg9[%parallel_loop3A_153, %parallel_loop3A_154] {strides = array<i32>} : memref<2x8192xi32, #tpu.memory_space<vmem>>, vector<16xi32>,
        %parallel_loop3A_156 = arith.constant 16 : i32
        %parallel_loop3A_157 = vector.broadcast %parallel_loop3A_156 : i32 to vector<16xi32>
        %parallel_loop3A_158 = arith.muli %parallel_loop3A_155, %parallel_loop3A_157 : vector<16xi32>
        %parallel_loop3A_159 = arith.addi %parallel_loop3A_158, %iota3A : vector<16xi32>
        %parallel_loop3A_160 = arith.constant 1024 : i32
        %parallel_loop3A_161 = vector.broadcast %parallel_loop3A_160 : i32 to vector<16xi32>
        %parallel_loop3A_162 = arith.addi %parallel_loop3A_159, %parallel_loop3A_161 : vector<16xi32>
        tpu.vector_store_idx %arg13[%parallel_loop3A_162], %parallel_loop3A_145 {add = true} : memref<3136xi32, #tpu.memory_space<vmem>>[vector<16xi32>], vector<16xi32>,
        %parallel_loop3A_163 = arith.index_cast %and3A_80 : i32 to index
        %parallel_loop3A_164 = arith.index_cast %parallel_loop3A_142 : i32 to index
        %parallel_loop3A_165 = tpu.vector_load %arg11[%parallel_loop3A_163, %parallel_loop3A_164] {strides = array<i32>} : memref<2x8192xi32, #tpu.memory_space<vmem>>, vector<16xi32>,
        %parallel_loop3A_166 = arith.constant 6 : i32
        %parallel_loop3A_167 = vector.broadcast %parallel_loop3A_166 : i32 to vector<16xi32>
        %parallel_loop3A_168 = arith.shrsi %parallel_loop3A_165, %parallel_loop3A_167 : vector<16xi32>
        %parallel_loop3A_169 = arith.xori %parallel_loop3A_168, %parallel_loop3A_165 : vector<16xi32>
        %parallel_loop3A_170 = arith.constant 63 : i32
        %parallel_loop3A_171 = vector.broadcast %parallel_loop3A_170 : i32 to vector<16xi32>
        %parallel_loop3A_172 = arith.andi %parallel_loop3A_169, %parallel_loop3A_171 : vector<16xi32>
        %parallel_loop3A_173 = arith.constant 16 : i32
        %parallel_loop3A_174 = vector.broadcast %parallel_loop3A_173 : i32 to vector<16xi32>
        %parallel_loop3A_175 = arith.muli %parallel_loop3A_172, %parallel_loop3A_174 : vector<16xi32>
        %parallel_loop3A_176 = arith.addi %parallel_loop3A_175, %iota3A : vector<16xi32>
        %parallel_loop3A_177 = arith.constant 2048 : i32
        %parallel_loop3A_178 = vector.broadcast %parallel_loop3A_177 : i32 to vector<16xi32>
        %parallel_loop3A_179 = arith.addi %parallel_loop3A_176, %parallel_loop3A_178 : vector<16xi32>
        tpu.vector_store_idx %arg13[%parallel_loop3A_179], %parallel_loop3A_145 {add = true} : memref<3136xi32, #tpu.memory_space<vmem>>[vector<16xi32>], vector<16xi32>,
        %parallel_loop3A_180 = arith.index_cast %and3A_80 : i32 to index
        %parallel_loop3A_181 = arith.index_cast %parallel_loop3A_142 : i32 to index
        %parallel_loop3A_182 = tpu.vector_load %arg10[%parallel_loop3A_180, %parallel_loop3A_181] {strides = array<i32>} : memref<2x8192xi32, #tpu.memory_space<vmem>>, vector<16xi32>,
        %parallel_loop3A_183 = arith.constant 16 : i32
        %parallel_loop3A_184 = vector.broadcast %parallel_loop3A_183 : i32 to vector<16xi32>
        %parallel_loop3A_185 = arith.muli %parallel_loop3A_182, %parallel_loop3A_184 : vector<16xi32>
        %parallel_loop3A_186 = arith.addi %parallel_loop3A_185, %iota3A : vector<16xi32>
        %parallel_loop3A_187 = arith.constant 3072 : i32
        %parallel_loop3A_188 = vector.broadcast %parallel_loop3A_187 : i32 to vector<16xi32>
        %parallel_loop3A_189 = arith.addi %parallel_loop3A_186, %parallel_loop3A_188 : vector<16xi32>
        tpu.vector_store_idx %arg13[%parallel_loop3A_189], %parallel_loop3A_145 {add = true} : memref<3136xi32, #tpu.memory_space<vmem>>[vector<16xi32>], vector<16xi32>,
      } {sc.loop_unroll_factor = 16 : i64, sc.parallel_access}
      %scan3A_139 = arith.constant 0 : i32
      scf.yield %scan3A_139 : i32
    }
    %scan3A_77 = arith.constant 32 : i32
    "tpu.region"() ({
      %run_scoped3A = tpu.sem_alloc : memref<!tpu.dma_semaphore, #tpu.memory_space<semaphore_mem>>
      %dma_start3A_78 = arith.constant 0 : i32
      %dma_start3A_79 = tpu.memref_slice %arg7[%add3A, %dma_start3A_78] : memref<32x3136xi32, #tpu.memory_space<hbm>> -> memref<1x3136xi32, #tpu.memory_space<hbm>>
      %dma_start3A_80 = tpu.memref_squeeze %dma_start3A_79 : memref<1x3136xi32, #tpu.memory_space<hbm>> -> memref<3136xi32, #tpu.memory_space<hbm>>
      %dma_start3A_81 = arith.constant 0 : i32
      %dma_start3A_82 = tpu.memref_slice %arg7[%add3A, %dma_start3A_81] : memref<32x3136xi32, #tpu.memory_space<hbm>> -> memref<1x3136xi32, #tpu.memory_space<hbm>>
      %dma_start3A_83 = tpu.memref_squeeze %dma_start3A_82 : memref<1x3136xi32, #tpu.memory_space<hbm>> -> memref<3136xi32, #tpu.memory_space<hbm>>
      tpu.enqueue_dma source(%arg13 : memref<3136xi32, #tpu.memory_space<vmem>>) target(%dma_start3A_83 : memref<3136xi32, #tpu.memory_space<hbm>>) target_semaphore(%run_scoped3A : memref<!tpu.dma_semaphore, #tpu.memory_space<semaphore_mem>>)
      %dma_wait3A = arith.constant 0 : i32
      %dma_wait3A_84 = tpu.memref_slice %arg7[%add3A, %dma_wait3A] : memref<32x3136xi32, #tpu.memory_space<hbm>> -> memref<1x3136xi32, #tpu.memory_space<hbm>>
      %dma_wait3A_85 = tpu.memref_squeeze %dma_wait3A_84 : memref<1x3136xi32, #tpu.memory_space<hbm>> -> memref<3136xi32, #tpu.memory_space<hbm>>
      %dma_wait3A_86 = arith.constant 0 : i32
      %dma_wait3A_87 = tpu.memref_slice %arg7[%add3A, %dma_wait3A_86] : memref<32x3136xi32, #tpu.memory_space<hbm>> -> memref<1x3136xi32, #tpu.memory_space<hbm>>
      %dma_wait3A_88 = tpu.memref_squeeze %dma_wait3A_87 : memref<1x3136xi32, #tpu.memory_space<hbm>> -> memref<3136xi32, #tpu.memory_space<hbm>>
      tpu.wait_dma2 semaphore(%run_scoped3A : memref<!tpu.dma_semaphore, #tpu.memory_space<semaphore_mem>>) src(%arg13 : memref<3136xi32, #tpu.memory_space<vmem>>) dst(%dma_wait3A_88 : memref<3136xi32, #tpu.memory_space<hbm>>)
      tpu.yield
    }) : () -> ()
    return
  }
}

module attributes {stable_mosaic.version = 14 : i64} {
  func.func @_tc_combined_body(%arg0: i32, %arg1: memref<1024x128xf32, #tpu.memory_space<vmem>>, %arg2: memref<1024x128xi32, #tpu.memory_space<vmem>>, %arg3: memref<1024x128xi32, #tpu.memory_space<vmem>>, %arg4: memref<1024x128xi32, #tpu.memory_space<vmem>>, %arg5: memref<1024x128xi8, #tpu.memory_space<vmem>>, %arg6: memref<8x128xi32, #tpu.memory_space<vmem>>, %arg7: memref<8x128xi32, #tpu.memory_space<vmem>>, %arg8: memref<8x128xi32, #tpu.memory_space<vmem>>, %arg9: memref<1024x128xf32, #tpu.memory_space<vmem>>) attributes {dimension_semantics = [#tpu.dimension_semantics<arbitrary>], iteration_bounds = array<i64: 64>, scalar_prefetch = 0 : i64, scratch_operands = 0 : i64, tpu.core_type = #tpu.core_type<tc>, window_params = [{transform_indices = @transform_0, window_bounds = array<i64: 1024, 128>}, {transform_indices = @transform_1, window_bounds = array<i64: 1024, 128>}, {transform_indices = @transform_2, window_bounds = array<i64: 1024, 128>}, {transform_indices = @transform_3, window_bounds = array<i64: 1024, 128>}, {transform_indices = @transform_4, window_bounds = array<i64: 1024, 128>}, {transform_indices = @transform_5, window_bounds = array<i64: 8, 128>}, {transform_indices = @transform_6, window_bounds = array<i64: 8, 128>}, {transform_indices = @transform_7, window_bounds = array<i64: 8, 128>}, {transform_indices = @transform_8, window_bounds = array<i64: 1024, 128>}]} {
    %get3A = arith.constant 0 : index
    %get3A_0 = arith.constant 0 : index
    %get3A_1 = vector.load %arg4[%get3A, %get3A_0] : memref<1024x128xi32, #tpu.memory_space<vmem>>, vector<1024x128xi32>
    %shift_right_arithmetic3A = arith.constant 6 : i32
    %shift_right_arithmetic3A_2 = vector.broadcast %shift_right_arithmetic3A : i32 to vector<1024x128xi32>
    %shift_right_arithmetic3A_3 = arith.shrsi %get3A_1, %shift_right_arithmetic3A_2 : vector<1024x128xi32>
    %xor3A = arith.xori %shift_right_arithmetic3A_3, %get3A_1 : vector<1024x128xi32>
    %and3A = arith.constant 63 : i32
    %and3A_4 = vector.broadcast %and3A : i32 to vector<1024x128xi32>
    %and3A_5 = arith.andi %xor3A, %and3A_4 : vector<1024x128xi32>
    %get3A_6 = arith.constant 0 : index
    %get3A_7 = arith.constant 0 : index
    %get3A_8 = vector.load %arg2[%get3A_6, %get3A_7] : memref<1024x128xi32, #tpu.memory_space<vmem>>, vector<1024x128xi32>
    %get3A_9 = arith.constant 0 : index
    %get3A_10 = arith.constant 0 : index
    %get3A_11 = vector.load %arg3[%get3A_9, %get3A_10] : memref<1024x128xi32, #tpu.memory_space<vmem>>, vector<1024x128xi32>
    %shift_left3A = arith.constant 6 : i32
    %shift_left3A_12 = vector.broadcast %shift_left3A : i32 to vector<1024x128xi32>
    %shift_left3A_13 = arith.shli %get3A_11, %shift_left3A_12 : vector<1024x128xi32>
    %or3A = arith.ori %get3A_8, %shift_left3A_13 : vector<1024x128xi32>
    %shift_left3A_14 = arith.constant 8 : i32
    %shift_left3A_15 = vector.broadcast %shift_left3A_14 : i32 to vector<1024x128xi32>
    %shift_left3A_16 = arith.shli %and3A_5, %shift_left3A_15 : vector<1024x128xi32>
    %or3A_17 = arith.ori %or3A, %shift_left3A_16 : vector<1024x128xi32>
    %get3A_18 = arith.constant 0 : index
    %get3A_19 = arith.constant 0 : index
    %get3A_20 = vector.load %arg8[%get3A_18, %get3A_19] : memref<8x128xi32, #tpu.memory_space<vmem>>, vector<8x128xi32>
    %shift_right_arithmetic3A_21 = arith.constant 6 : i32
    %shift_right_arithmetic3A_22 = vector.broadcast %shift_right_arithmetic3A_21 : i32 to vector<8x128xi32>
    %shift_right_arithmetic3A_23 = arith.shrsi %get3A_20, %shift_right_arithmetic3A_22 : vector<8x128xi32>
    %xor3A_24 = arith.xori %shift_right_arithmetic3A_23, %get3A_20 : vector<8x128xi32>
    %and3A_25 = arith.constant 63 : i32
    %and3A_26 = vector.broadcast %and3A_25 : i32 to vector<8x128xi32>
    %and3A_27 = arith.andi %xor3A_24, %and3A_26 : vector<8x128xi32>
    %get3A_28 = arith.constant 0 : index
    %get3A_29 = arith.constant 0 : index
    %get3A_30 = vector.load %arg6[%get3A_28, %get3A_29] : memref<8x128xi32, #tpu.memory_space<vmem>>, vector<8x128xi32>
    %get3A_31 = arith.constant 0 : index
    %get3A_32 = arith.constant 0 : index
    %get3A_33 = vector.load %arg7[%get3A_31, %get3A_32] : memref<8x128xi32, #tpu.memory_space<vmem>>, vector<8x128xi32>
    %shift_left3A_34 = arith.constant 6 : i32
    %shift_left3A_35 = vector.broadcast %shift_left3A_34 : i32 to vector<8x128xi32>
    %shift_left3A_36 = arith.shli %get3A_33, %shift_left3A_35 : vector<8x128xi32>
    %or3A_37 = arith.ori %get3A_30, %shift_left3A_36 : vector<8x128xi32>
    %shift_left3A_38 = arith.constant 8 : i32
    %shift_left3A_39 = vector.broadcast %shift_left3A_38 : i32 to vector<8x128xi32>
    %shift_left3A_40 = arith.shli %and3A_27, %shift_left3A_39 : vector<8x128xi32>
    %or3A_41 = arith.ori %or3A_37, %shift_left3A_40 : vector<8x128xi32>
    %get3A_42 = arith.constant 0 : index
    %get3A_43 = arith.constant 0 : index
    %get3A_44 = vector.load %arg5[%get3A_42, %get3A_43] : memref<1024x128xi8, #tpu.memory_space<vmem>>, vector<1024x128xi8>
    %ne3A = arith.constant 0 : i8
    %ne3A_45 = vector.broadcast %ne3A : i8 to vector<1024x128xi8>
    %ne3A_46 = arith.cmpi ne, %get3A_44, %ne3A_45 : vector<1024x128xi8>
    %eq3A = arith.constant 63 : i32
    %eq3A_47 = arith.cmpi eq, %arg0, %eq3A : i32
    %iota3A = tpu.iota {dimensions = array<i32: 0>} : vector<1024x128xi32>
    %iota3A_48 = tpu.iota {dimensions = array<i32: 1>} : vector<1024x128xi32>
    %eq3A_49 = arith.constant 1023 : i32
    %eq3A_50 = vector.broadcast %eq3A_49 : i32 to vector<1024x128xi32>
    %eq3A_51 = arith.cmpi eq, %iota3A, %eq3A_50 : vector<1024x128xi32>
    %eq3A_52 = arith.constant 127 : i32
    %eq3A_53 = vector.broadcast %eq3A_52 : i32 to vector<1024x128xi32>
    %eq3A_54 = arith.cmpi eq, %iota3A_48, %eq3A_53 : vector<1024x128xi32>
    %and3A_55 = arith.andi %eq3A_51, %eq3A_54 : vector<1024x128xi1>
    %roll3A = arith.constant 127 : i32
    %roll3A_56 = tpu.dynamic_rotate %or3A_17 by %roll3A dim 1 : vector<1024x128xi32>, i32 -> vector<1024x128xi32>
    %slice3A = vector.extract_strided_slice %or3A_17 {offsets = [1, 0], sizes = [1023, 128], strides = [1, 1]} : vector<1024x128xi32> to vector<1023x128xi32>
    %slice3A_57 = vector.extract_strided_slice %or3A_41 {offsets = [0, 0], sizes = [1, 128], strides = [1, 1]} : vector<8x128xi32> to vector<1x128xi32>
    %concatenate3A = tpu.concatenate %slice3A, %slice3A_57 in 0 : vector<1023x128xi32>, vector<1x128xi32> -> vector<1024x128xi32>
    %slice3A_58 = vector.extract_strided_slice %concatenate3A {offsets = [0, 0], sizes = [1024, 1], strides = [1, 1]} : vector<1024x128xi32> to vector<1024x1xi32>
    %broadcast_in_dim3A = vector.shape_cast %slice3A_58 : vector<1024x1xi32> to vector<1024x1xi32>
    %broadcast_in_dim3A_59 = vector.broadcast %broadcast_in_dim3A : vector<1024x1xi32> to vector<1024x128xi32>
    %eq3A_60 = arith.constant 127 : i32
    %eq3A_61 = vector.broadcast %eq3A_60 : i32 to vector<1024x128xi32>
    %eq3A_62 = arith.cmpi eq, %iota3A_48, %eq3A_61 : vector<1024x128xi32>
    %select_n3A = arith.select %eq3A_62, %broadcast_in_dim3A_59, %roll3A_56 : vector<1024x128xi1>, vector<1024x128xi32>
    %and3A_63 = vector.broadcast %eq3A_47 : i1 to vector<1024x128xi1>
    %and3A_64 = arith.andi %and3A_55, %and3A_63 : vector<1024x128xi1>
    %jit3A = arith.constant 0 : i32
    %broadcast_in_dim3A_65 = vector.broadcast %jit3A : i32 to vector<1024x128xi32>
    %select_n3A_66 = arith.select %and3A_64, %broadcast_in_dim3A_65, %select_n3A : vector<1024x128xi1>, vector<1024x128xi32>
    %xor3A_67 = arith.xori %or3A_17, %select_n3A_66 : vector<1024x128xi32>
    %and3A_68 = arith.constant 63 : i32
    %and3A_69 = vector.broadcast %and3A_68 : i32 to vector<1024x128xi32>
    %and3A_70 = arith.andi %xor3A_67, %and3A_69 : vector<1024x128xi32>
    %population_count3A = math.ctpop %and3A_70 : vector<1024x128xi32>
    %convert_element_type3A = arith.sitofp %population_count3A : vector<1024x128xi32> to vector<1024x128xf32>
    %mul3A = arith.constant 0.166666672 : f32
    %mul3A_71 = vector.broadcast %mul3A : f32 to vector<1024x128xf32>
    %mul3A_72 = arith.mulf %convert_element_type3A, %mul3A_71 : vector<1024x128xf32>
    %shift_right_arithmetic3A_73 = arith.constant 6 : i32
    %shift_right_arithmetic3A_74 = vector.broadcast %shift_right_arithmetic3A_73 : i32 to vector<1024x128xi32>
    %shift_right_arithmetic3A_75 = arith.shrsi %xor3A_67, %shift_right_arithmetic3A_74 : vector<1024x128xi32>
    %and3A_76 = arith.constant 3 : i32
    %and3A_77 = vector.broadcast %and3A_76 : i32 to vector<1024x128xi32>
    %and3A_78 = arith.andi %shift_right_arithmetic3A_75, %and3A_77 : vector<1024x128xi32>
    %population_count3A_79 = math.ctpop %and3A_78 : vector<1024x128xi32>
    %convert_element_type3A_80 = arith.sitofp %population_count3A_79 : vector<1024x128xi32> to vector<1024x128xf32>
    %mul3A_81 = arith.constant 5.000000e-01 : f32
    %mul3A_82 = vector.broadcast %mul3A_81 : f32 to vector<1024x128xf32>
    %mul3A_83 = arith.mulf %convert_element_type3A_80, %mul3A_82 : vector<1024x128xf32>
    %shift_right_arithmetic3A_84 = arith.constant 8 : i32
    %shift_right_arithmetic3A_85 = vector.broadcast %shift_right_arithmetic3A_84 : i32 to vector<1024x128xi32>
    %shift_right_arithmetic3A_86 = arith.shrsi %xor3A_67, %shift_right_arithmetic3A_85 : vector<1024x128xi32>
    %population_count3A_87 = math.ctpop %shift_right_arithmetic3A_86 : vector<1024x128xi32>
    %convert_element_type3A_88 = arith.sitofp %population_count3A_87 : vector<1024x128xi32> to vector<1024x128xf32>
    %mul3A_89 = arith.constant 0.166666672 : f32
    %mul3A_90 = vector.broadcast %mul3A_89 : f32 to vector<1024x128xf32>
    %mul3A_91 = arith.mulf %convert_element_type3A_88, %mul3A_90 : vector<1024x128xf32>
    %jit3A_92 = arith.constant 0.000000e+00 : f32
    %jit3A_93 = arith.constant 1.000000e+00 : f32
    %max3A = vector.broadcast %jit3A_92 : f32 to vector<1024x128xf32>
    %max3A_94 = arith.maximumf %max3A, %mul3A_91 : vector<1024x128xf32>
    %min3A = vector.broadcast %jit3A_93 : f32 to vector<1024x128xf32>
    %min3A_95 = arith.minimumf %min3A, %max3A_94 : vector<1024x128xf32>
    %mul3A_96 = arith.constant 5.000000e-01 : f32
    %mul3A_97 = vector.broadcast %mul3A_96 : f32 to vector<1024x128xf32>
    %mul3A_98 = arith.mulf %mul3A_97, %min3A_95 : vector<1024x128xf32>
    %mul3A_99 = arith.constant 3.500000e-01 : f32
    %mul3A_100 = vector.broadcast %mul3A_99 : f32 to vector<1024x128xf32>
    %mul3A_101 = arith.mulf %mul3A_100, %mul3A_72 : vector<1024x128xf32>
    %add3A = arith.addf %mul3A_98, %mul3A_101 : vector<1024x128xf32>
    %mul3A_102 = arith.constant 1.500000e-01 : f32
    %mul3A_103 = vector.broadcast %mul3A_102 : f32 to vector<1024x128xf32>
    %mul3A_104 = arith.mulf %mul3A_103, %mul3A_83 : vector<1024x128xf32>
    %add3A_105 = arith.addf %add3A, %mul3A_104 : vector<1024x128xf32>
    %jit3A_106 = arith.constant 9.99999997E-7 : f32
    %jit3A_107 = arith.constant 1.000000e+00 : f32
    %max3A_108 = vector.broadcast %jit3A_106 : f32 to vector<1024x128xf32>
    %max3A_109 = arith.maximumf %max3A_108, %add3A_105 : vector<1024x128xf32>
    %min3A_110 = vector.broadcast %jit3A_107 : f32 to vector<1024x128xf32>
    %min3A_111 = arith.minimumf %min3A_110, %max3A_109 : vector<1024x128xf32>
    %jit3A_112 = arith.constant 0.000000e+00 : f32
    %broadcast_in_dim3A_113 = vector.broadcast %jit3A_112 : f32 to vector<1024x128xf32>
    %select_n3A_114 = arith.select %ne3A_46, %min3A_111, %broadcast_in_dim3A_113 : vector<1024x128xi1>, vector<1024x128xf32>
    %get3A_115 = arith.constant 0 : index
    %get3A_116 = arith.constant 0 : index
    %get3A_117 = vector.load %arg1[%get3A_115, %get3A_116] : memref<1024x128xf32, #tpu.memory_space<vmem>>, vector<1024x128xf32>
    %min3A_118 = arith.constant 0.000000e+00 : f32
    %min3A_119 = vector.broadcast %min3A_118 : f32 to vector<1024x128xf32>
    %min3A_120 = arith.minimumf %get3A_117, %min3A_119 : vector<1024x128xf32>
    %exp3A = math.exp %min3A_120 : vector<1024x128xf32>
    %mul3A_121 = arith.constant 5.000000e-01 : f32
    %mul3A_122 = vector.broadcast %mul3A_121 : f32 to vector<1024x128xf32>
    %mul3A_123 = arith.mulf %mul3A_122, %exp3A : vector<1024x128xf32>
    %mul3A_124 = arith.constant 5.000000e-01 : f32
    %mul3A_125 = vector.broadcast %mul3A_124 : f32 to vector<1024x128xf32>
    %mul3A_126 = arith.mulf %mul3A_125, %select_n3A_114 : vector<1024x128xf32>
    %add3A_127 = arith.addf %mul3A_123, %mul3A_126 : vector<1024x128xf32>
    %jit3A_128 = arith.constant 9.99999997E-7 : f32
    %jit3A_129 = arith.constant 0.999998986 : f32
    %max3A_130 = vector.broadcast %jit3A_128 : f32 to vector<1024x128xf32>
    %max3A_131 = arith.maximumf %max3A_130, %add3A_127 : vector<1024x128xf32>
    %min3A_132 = vector.broadcast %jit3A_129 : f32 to vector<1024x128xf32>
    %min3A_133 = arith.minimumf %min3A_132, %max3A_131 : vector<1024x128xf32>
    %swap3A = arith.constant 0 : index
    %swap3A_134 = arith.constant 0 : index
    %swap3A_135 = vector.load %arg9[%swap3A, %swap3A_134] : memref<1024x128xf32, #tpu.memory_space<vmem>>, vector<1024x128xf32>
    tpu.vector_store %arg9[%swap3A, %swap3A_134], %min3A_133 {strides = array<i32>} : memref<1024x128xf32, #tpu.memory_space<vmem>>, vector<1024x128xf32>,
    return
  }
  func.func @transform_0(%arg0: i32) -> (i32, i32) {
    %c0_i32 = arith.constant 0 : i32
    %c0_i32_0 = arith.constant 0 : i32
    return %arg0, %c0_i32 : i32, i32
  }
  func.func @transform_1(%arg0: i32) -> (i32, i32) {
    %c0_i32 = arith.constant 0 : i32
    %c0_i32_0 = arith.constant 0 : i32
    return %arg0, %c0_i32 : i32, i32
  }
  func.func @transform_2(%arg0: i32) -> (i32, i32) {
    %c0_i32 = arith.constant 0 : i32
    %c0_i32_0 = arith.constant 0 : i32
    return %arg0, %c0_i32 : i32, i32
  }
  func.func @transform_3(%arg0: i32) -> (i32, i32) {
    %c0_i32 = arith.constant 0 : i32
    %c0_i32_0 = arith.constant 0 : i32
    return %arg0, %c0_i32 : i32, i32
  }
  func.func @transform_4(%arg0: i32) -> (i32, i32) {
    %c0_i32 = arith.constant 0 : i32
    %c0_i32_0 = arith.constant 0 : i32
    return %arg0, %c0_i32 : i32, i32
  }
  func.func @transform_5(%arg0: i32) -> (i32, i32) {
    %add3A = arith.constant 1 : i32
    %add3A_0 = arith.addi %arg0, %add3A : i32
    %mul3A = arith.constant 128 : i32
    %mul3A_1 = arith.muli %add3A_0, %mul3A : i32
    %c0_i32 = arith.constant 0 : i32
    %c0_i32_2 = arith.constant 0 : i32
    return %mul3A_1, %c0_i32 : i32, i32
  }
  func.func @transform_6(%arg0: i32) -> (i32, i32) {
    %add3A = arith.constant 1 : i32
    %add3A_0 = arith.addi %arg0, %add3A : i32
    %mul3A = arith.constant 128 : i32
    %mul3A_1 = arith.muli %add3A_0, %mul3A : i32
    %c0_i32 = arith.constant 0 : i32
    %c0_i32_2 = arith.constant 0 : i32
    return %mul3A_1, %c0_i32 : i32, i32
  }
  func.func @transform_7(%arg0: i32) -> (i32, i32) {
    %add3A = arith.constant 1 : i32
    %add3A_0 = arith.addi %arg0, %add3A : i32
    %mul3A = arith.constant 128 : i32
    %mul3A_1 = arith.muli %add3A_0, %mul3A : i32
    %c0_i32 = arith.constant 0 : i32
    %c0_i32_2 = arith.constant 0 : i32
    return %mul3A_1, %c0_i32 : i32, i32
  }
  func.func @transform_8(%arg0: i32) -> (i32, i32) {
    %c0_i32 = arith.constant 0 : i32
    %c0_i32_0 = arith.constant 0 : i32
    return %arg0, %c0_i32 : i32, i32
  }
}

module attributes {stable_mosaic.version = 14 : i64} {
  func.func @_tc_fold_body(%arg0: memref<196x512xi32, #tpu.memory_space<vmem>>, %arg1: memref<64x1xi32, #tpu.memory_space<vmem>>, %arg2: memref<4x1xi32, #tpu.memory_space<vmem>>, %arg3: memref<64x1xi32, #tpu.memory_space<vmem>>, %arg4: memref<1x7xi32, #tpu.memory_space<vmem>>, %arg5: memref<1x7xi32, #tpu.memory_space<vmem>>, %arg6: memref<1x6xi32, #tpu.memory_space<vmem>>) attributes {dimension_semantics = [], scalar_prefetch = 0 : i64, scratch_operands = 0 : i64, tpu.core_type = #tpu.core_type<tc>} {
    %get3A = arith.constant 0 : index
    %get3A_0 = arith.constant 0 : index
    %get3A_1 = vector.load %arg0[%get3A, %get3A_0] : memref<196x512xi32, #tpu.memory_space<vmem>>, vector<196x512xi32>
    %reduce_sum3A = arith.constant dense<0> : vector<196xi32>
    %reduce_sum3A_2 = vector.multi_reduction <add>, %get3A_1, %reduce_sum3A [1] : vector<196x512xi32> to vector<196xi32>
    %broadcast_in_dim3A = vector.shape_cast %reduce_sum3A_2 : vector<196xi32> to vector<196x1xi32>
    %slice3A = vector.extract_strided_slice %broadcast_in_dim3A {offsets = [0, 0], sizes = [64, 1], strides = [1, 1]} : vector<196x1xi32> to vector<64x1xi32>
    %slice3A_3 = vector.extract_strided_slice %broadcast_in_dim3A {offsets = [64, 0], sizes = [64, 1], strides = [1, 1]} : vector<196x1xi32> to vector<64x1xi32>
    %slice3A_4 = vector.extract_strided_slice %broadcast_in_dim3A {offsets = [128, 0], sizes = [64, 1], strides = [1, 1]} : vector<196x1xi32> to vector<64x1xi32>
    %swap3A = arith.constant 0 : index
    %swap3A_5 = arith.constant 0 : index
    %swap3A_6 = vector.load %arg1[%swap3A, %swap3A_5] : memref<64x1xi32, #tpu.memory_space<vmem>>, vector<64x1xi32>
    tpu.vector_store %arg1[%swap3A, %swap3A_5], %slice3A {strides = array<i32>} : memref<64x1xi32, #tpu.memory_space<vmem>>, vector<64x1xi32>,
    %swap3A_7 = arith.constant 0 : index
    %swap3A_8 = arith.constant 0 : index
    %swap3A_9 = vector.load %arg3[%swap3A_7, %swap3A_8] : memref<64x1xi32, #tpu.memory_space<vmem>>, vector<64x1xi32>
    tpu.vector_store %arg3[%swap3A_7, %swap3A_8], %slice3A_3 {strides = array<i32>} : memref<64x1xi32, #tpu.memory_space<vmem>>, vector<64x1xi32>,
    %slice3A_10 = vector.extract_strided_slice %broadcast_in_dim3A {offsets = [192, 0], sizes = [4, 1], strides = [1, 1]} : vector<196x1xi32> to vector<4x1xi32>
    %swap3A_11 = arith.constant 0 : index
    %swap3A_12 = arith.constant 0 : index
    %swap3A_13 = vector.load %arg2[%swap3A_11, %swap3A_12] : memref<4x1xi32, #tpu.memory_space<vmem>>, vector<4x1xi32>
    tpu.vector_store %arg2[%swap3A_11, %swap3A_12], %slice3A_10 {strides = array<i32>} : memref<4x1xi32, #tpu.memory_space<vmem>>, vector<4x1xi32>,
    %iota3A = tpu.iota {dimensions = array<i32: 0>} : vector<64x7xi32>
    %iota3A_14 = tpu.iota {dimensions = array<i32: 1>} : vector<64x7xi32>
    %shift_right_arithmetic3A = arith.constant 0 : i32
    %shift_right_arithmetic3A_15 = vector.broadcast %shift_right_arithmetic3A : i32 to vector<64x7xi32>
    %shift_right_arithmetic3A_16 = arith.shrsi %iota3A, %shift_right_arithmetic3A_15 : vector<64x7xi32>
    %and3A = arith.constant 1 : i32
    %and3A_17 = vector.broadcast %and3A : i32 to vector<64x7xi32>
    %and3A_18 = arith.andi %shift_right_arithmetic3A_16, %and3A_17 : vector<64x7xi32>
    %shift_right_arithmetic3A_19 = arith.constant 1 : i32
    %shift_right_arithmetic3A_20 = vector.broadcast %shift_right_arithmetic3A_19 : i32 to vector<64x7xi32>
    %shift_right_arithmetic3A_21 = arith.shrsi %iota3A, %shift_right_arithmetic3A_20 : vector<64x7xi32>
    %and3A_22 = arith.constant 1 : i32
    %and3A_23 = vector.broadcast %and3A_22 : i32 to vector<64x7xi32>
    %and3A_24 = arith.andi %shift_right_arithmetic3A_21, %and3A_23 : vector<64x7xi32>
    %add3A = arith.addi %and3A_18, %and3A_24 : vector<64x7xi32>
    %shift_right_arithmetic3A_25 = arith.constant 2 : i32
    %shift_right_arithmetic3A_26 = vector.broadcast %shift_right_arithmetic3A_25 : i32 to vector<64x7xi32>
    %shift_right_arithmetic3A_27 = arith.shrsi %iota3A, %shift_right_arithmetic3A_26 : vector<64x7xi32>
    %and3A_28 = arith.constant 1 : i32
    %and3A_29 = vector.broadcast %and3A_28 : i32 to vector<64x7xi32>
    %and3A_30 = arith.andi %shift_right_arithmetic3A_27, %and3A_29 : vector<64x7xi32>
    %add3A_31 = arith.addi %add3A, %and3A_30 : vector<64x7xi32>
    %shift_right_arithmetic3A_32 = arith.constant 3 : i32
    %shift_right_arithmetic3A_33 = vector.broadcast %shift_right_arithmetic3A_32 : i32 to vector<64x7xi32>
    %shift_right_arithmetic3A_34 = arith.shrsi %iota3A, %shift_right_arithmetic3A_33 : vector<64x7xi32>
    %and3A_35 = arith.constant 1 : i32
    %and3A_36 = vector.broadcast %and3A_35 : i32 to vector<64x7xi32>
    %and3A_37 = arith.andi %shift_right_arithmetic3A_34, %and3A_36 : vector<64x7xi32>
    %add3A_38 = arith.addi %add3A_31, %and3A_37 : vector<64x7xi32>
    %shift_right_arithmetic3A_39 = arith.constant 4 : i32
    %shift_right_arithmetic3A_40 = vector.broadcast %shift_right_arithmetic3A_39 : i32 to vector<64x7xi32>
    %shift_right_arithmetic3A_41 = arith.shrsi %iota3A, %shift_right_arithmetic3A_40 : vector<64x7xi32>
    %and3A_42 = arith.constant 1 : i32
    %and3A_43 = vector.broadcast %and3A_42 : i32 to vector<64x7xi32>
    %and3A_44 = arith.andi %shift_right_arithmetic3A_41, %and3A_43 : vector<64x7xi32>
    %add3A_45 = arith.addi %add3A_38, %and3A_44 : vector<64x7xi32>
    %shift_right_arithmetic3A_46 = arith.constant 5 : i32
    %shift_right_arithmetic3A_47 = vector.broadcast %shift_right_arithmetic3A_46 : i32 to vector<64x7xi32>
    %shift_right_arithmetic3A_48 = arith.shrsi %iota3A, %shift_right_arithmetic3A_47 : vector<64x7xi32>
    %and3A_49 = arith.constant 1 : i32
    %and3A_50 = vector.broadcast %and3A_49 : i32 to vector<64x7xi32>
    %and3A_51 = arith.andi %shift_right_arithmetic3A_48, %and3A_50 : vector<64x7xi32>
    %add3A_52 = arith.addi %add3A_45, %and3A_51 : vector<64x7xi32>
    %broadcast_in_dim3A_53 = vector.shape_cast %slice3A : vector<64x1xi32> to vector<64x1xi32>
    %broadcast_in_dim3A_54 = vector.broadcast %broadcast_in_dim3A_53 : vector<64x1xi32> to vector<64x7xi32>
    %broadcast_in_dim3A_55 = vector.shape_cast %slice3A_4 : vector<64x1xi32> to vector<64x1xi32>
    %broadcast_in_dim3A_56 = vector.broadcast %broadcast_in_dim3A_55 : vector<64x1xi32> to vector<64x7xi32>
    %eq3A = arith.cmpi eq, %add3A_52, %iota3A_14 : vector<64x7xi32>
    %jit3A = arith.constant 0 : i32
    %broadcast_in_dim3A_57 = vector.broadcast %jit3A : i32 to vector<64x7xi32>
    %select_n3A = arith.select %eq3A, %broadcast_in_dim3A_56, %broadcast_in_dim3A_57 : vector<64x7xi1>, vector<64x7xi32>
    %reduce_sum3A_58 = arith.constant dense<0> : vector<7xi32>
    %reduce_sum3A_59 = vector.multi_reduction <add>, %select_n3A, %reduce_sum3A_58 [0] : vector<64x7xi32> to vector<7xi32>
    %broadcast_in_dim3A_60 = vector.shape_cast %reduce_sum3A_59 : vector<7xi32> to vector<1x7xi32>
    %swap3A_61 = arith.constant 0 : index
    %swap3A_62 = arith.constant 0 : index
    %swap3A_63 = vector.load %arg4[%swap3A_61, %swap3A_62] : memref<1x7xi32, #tpu.memory_space<vmem>>, vector<1x7xi32>
    tpu.vector_store %arg4[%swap3A_61, %swap3A_62], %broadcast_in_dim3A_60 {strides = array<i32>} : memref<1x7xi32, #tpu.memory_space<vmem>>, vector<1x7xi32>,
    %eq3A_64 = arith.cmpi eq, %add3A_52, %iota3A_14 : vector<64x7xi32>
    %jit3A_65 = arith.constant 0 : i32
    %broadcast_in_dim3A_66 = vector.broadcast %jit3A_65 : i32 to vector<64x7xi32>
    %select_n3A_67 = arith.select %eq3A_64, %broadcast_in_dim3A_54, %broadcast_in_dim3A_66 : vector<64x7xi1>, vector<64x7xi32>
    %reduce_sum3A_68 = arith.constant dense<0> : vector<7xi32>
    %reduce_sum3A_69 = vector.multi_reduction <add>, %select_n3A_67, %reduce_sum3A_68 [0] : vector<64x7xi32> to vector<7xi32>
    %broadcast_in_dim3A_70 = vector.shape_cast %reduce_sum3A_69 : vector<7xi32> to vector<1x7xi32>
    %swap3A_71 = arith.constant 0 : index
    %swap3A_72 = arith.constant 0 : index
    %swap3A_73 = vector.load %arg5[%swap3A_71, %swap3A_72] : memref<1x7xi32, #tpu.memory_space<vmem>>, vector<1x7xi32>
    tpu.vector_store %arg5[%swap3A_71, %swap3A_72], %broadcast_in_dim3A_70 {strides = array<i32>} : memref<1x7xi32, #tpu.memory_space<vmem>>, vector<1x7xi32>,
    %iota3A_74 = tpu.iota {dimensions = array<i32: 0>} : vector<64x6xi32>
    %iota3A_75 = tpu.iota {dimensions = array<i32: 1>} : vector<64x6xi32>
    %broadcast_in_dim3A_76 = vector.shape_cast %slice3A : vector<64x1xi32> to vector<64x1xi32>
    %broadcast_in_dim3A_77 = vector.broadcast %broadcast_in_dim3A_76 : vector<64x1xi32> to vector<64x6xi32>
    %shift_right_arithmetic3A_78 = arith.shrsi %iota3A_74, %iota3A_75 : vector<64x6xi32>
    %and3A_79 = arith.constant 1 : i32
    %and3A_80 = vector.broadcast %and3A_79 : i32 to vector<64x6xi32>
    %and3A_81 = arith.andi %shift_right_arithmetic3A_78, %and3A_80 : vector<64x6xi32>
    %ne3A = arith.constant 0 : i32
    %ne3A_82 = vector.broadcast %ne3A : i32 to vector<64x6xi32>
    %ne3A_83 = arith.cmpi ne, %and3A_81, %ne3A_82 : vector<64x6xi32>
    %jit3A_84 = arith.constant 0 : i32
    %broadcast_in_dim3A_85 = vector.broadcast %jit3A_84 : i32 to vector<64x6xi32>
    %select_n3A_86 = arith.select %ne3A_83, %broadcast_in_dim3A_77, %broadcast_in_dim3A_85 : vector<64x6xi1>, vector<64x6xi32>
    %reduce_sum3A_87 = arith.constant dense<0> : vector<6xi32>
    %reduce_sum3A_88 = vector.multi_reduction <add>, %select_n3A_86, %reduce_sum3A_87 [0] : vector<64x6xi32> to vector<6xi32>
    %broadcast_in_dim3A_89 = vector.shape_cast %reduce_sum3A_88 : vector<6xi32> to vector<1x6xi32>
    %swap3A_90 = arith.constant 0 : index
    %swap3A_91 = arith.constant 0 : index
    %swap3A_92 = vector.load %arg6[%swap3A_90, %swap3A_91] : memref<1x6xi32, #tpu.memory_space<vmem>>, vector<1x6xi32>
    tpu.vector_store %arg6[%swap3A_90, %swap3A_91], %broadcast_in_dim3A_89 {strides = array<i32>} : memref<1x6xi32, #tpu.memory_space<vmem>>, vector<1x6xi32>,
    return
  }
}

</mosaic_0001>

<sc_bundles>
// kernel: kernel.5.cloned.1.call-start
scs
__scs_entry_jumppad:
0x0: {  	(pc) =	sbr.rel $0x88, $3  }
0x1: {  	(tag) =	ssettag $0x0;
	lr =	simm.s32 $0x1  }
0x2: {  	[smem:$0x3F9B] =	sst lr;
	_ =	strace $0xD0000000  }
0x3: {  	_ = 	snop  }
0x4: {  	_ = 	snop  }
0x5: {  	_ = 	snop  }
0x6: {  	_ = 	snop  }
0x7: {  	_ = 	snop  }
__scs_overlays_trampoline_lowered:
0x8: {  	[smem:$0x3FAA] =	sst s0  }
0x9: {  	[smem:$0x3FAB] =	sst s1  }
0xa: {  	[smem:$0x3FAC] =	sst s2  }
0xb: {  	[smem:$0x3FAD] =	sst s3  }
0xc: {  	[smem:$0x3FAE] =	sst s4  }
0xd: {  	[smem:$0x3FAF] =	sst s5  }
0xe: {  	[smem:$0x3FB0] =	sst s6  }
0xf: {  	[smem:$0x3FB1] =	sst s7  }
0x10: {  	[smem:$0x3FB2] =	sst s8  }
0x11: {  	[smem:$0x3FB3] =	sst s9;
	s0 =	simm.s32 @!p0 $0x0  }
0x12: {  	s1 =	sld [smem:$0x3F99];
	s0 =	simm.s32 @p0 $0x1  }
0x13: {  	[smem:$0x3FB4] =	sst s0;
	s0 =	simm.s32 @!p1 $0x0  }
0x14: {  	s2 =	sld [smem:$0x3F98];
	s0 =	simm.s32 @p1 $0x1  }
0x15: {  	[smem:$0x3FB5] =	sst s0;
	s0 =	simm.s32 @!p2 $0x0  }
0x16: {  	s3 =	sld [smem:$0x3FDB];
	s0 =	simm.s32 @p2 $0x1  }
0x17: {  	s4 =	simm.s32 $0x1BF5;
	[smem:$0x3FB7] =	sst s0  }
0x18: {  	s0 =	sld [smem:$0x3F9A];
	_ =	swait.ge [sflag:s4], $0x0  }
0x19: {  	s7 =	sld [smem:$0x3F9B]  }
0x1a: {  	s8 =	sadd.s32 $0xFFFFE003, lr  }
0x1b: {  	s9 =	sadd.s32 $0xFFFFFEF7, lr;
	s5 =	simm.s32 $0xFFFFFFFF;
	p2 =	slt.u32 s8, $0xFFFFF086  }
0x1c: {  	p1 =	slt.u32 s9, $0xF7A;
	s5 =	simm.s32 @!p2 $0x0  }
0x1d: {  	s5 =	simm.s32 @p1 $0x1;
	p0 =	seq.s32 s7, s2  }
0x1e: {  	s7 =	smul.u32 @!p0 $0xF7A, s2;
	p2 =	seq.s32 @!p0 s5, $0x0  }
0x1f: {  	s9 =	smul.u32 $0xF7A, s1;
	s8 =	simm.s32 @!p0 $0x1BF5;
	p2 =	por !p2, p0  }
0x20: {  	[sflag:s8] =	ssyncset.s32 @!p0 $0xFFFFF086;
	s6 =	sadd.s32 @!p0 s3, s7;
	s7 =	simm.s32 @!p0 $0x108  }
0x21: {  	s3 =	sadd.s32 s3, s9;
	s6 =	sadd.s32 @!p0 $0x88, s6;
	s7 =	simm.s32 @p2 $0x1082  }
0x22: {  	[simem:s7], [sflag:s8] =	dma.local @!p0 [hbm:s6], $0xF7A  }
0x23: {  	s9 =	sor.u32 $0xD0000000, s2;
	s6 =	simm.s32 $0x108;
	_ =	swait.ge @!p0 [sflag:s8], $0x0  }
0x24: {  	s3 =	sadd.s32 $0x88, s3;
	s6 =	simm.s32 @!p1 $0x1082;
	[sflag:s4] =	ssyncset.s32 $0xFFFFF086  }
0x25: {  	[simem:s6], [sflag:s4] =	dma.local [hbm:s3], $0xF7A  }
0x26: {  	[smem:$0x3F9B] =	sst s1;
	(tag) =	ssettag s2;
	_ =	strace s9  }
0x27: {  	s1 =	sld [smem:$0x3FAB]  }
0x28: {  	s2 =	sld [smem:$0x3FAC]  }
0x29: {  	s4 =	sld [smem:$0x3FAE]  }
0x2a: {  	p0 =	seq.s32 s5, $0x0;
	s5 =	sld [smem:$0x3FAF]  }
0x2b: {  	s6 =	sld [smem:$0x3FB0]  }
0x2c: {  	s7 =	sld [smem:$0x3FB1]  }
0x2d: {  	s3 =	simm.s32 $0x108;
	s8 =	sld [smem:$0x3FB2]  }
0x2e: {  	s3 =	simm.s32 @!p0 $0x1082;
	s9 =	sld [smem:$0x3FB3]  }
0x2f: {  	lr =	sadd.s32 s0, s3;
	s0 =	sld [smem:$0x3FAA]  }
0x30: {  	s3 =	sld [smem:$0x3FAD]  }
0x31: {  	[smem:$0x3FB6] =	sst s10  }
0x32: {  	s10 =	sld [smem:$0x3FB4];
	_ =	sdelay $0x3  }
0x33: {  	p0 =	seq.s32 s10, $0x1;
	s10 =	sld [smem:$0x3FB6];
	_ =	sdelay $0x3  }
0x34: {  	[smem:$0x3FB6] =	sst s10  }
0x35: {  	s10 =	sld [smem:$0x3FB5];
	_ =	sdelay $0x3  }
0x36: {  	p1 =	seq.s32 s10, $0x1;
	s10 =	sld [smem:$0x3FB6];
	_ =	sdelay $0x3  }
0x37: {  	[smem:$0x3FB6] =	sst s10  }
0x38: {  	s10 =	sld [smem:$0x3FB7]  }
0x39: {  	_ = 	snop;
	(pc) =	sbr.ind lr, $3  }
0x3a: {  	_ = 	snop  }
0x3b: {  	_ = 	snop  }
0x3c: {  	p2 =	seq.s32 s10, $0x1;
	s10 =	sld [smem:$0x3FB6]  }
0x3d: {  	_ =	shalt  }
0x3e: {  	_ =	shalt  }
0x3f: {  	_ =	shalt  }
0x40: {  	_ =	shalt  }
0x41: {  	_ =	shalt  }
0x42: {  	_ =	shalt  }
0x43: {  	_ =	shalt  }
0x44: {  	_ =	shalt  }
0x45: {  	_ =	shalt  }
0x46: {  	_ =	shalt  }
0x47: {  	_ =	shalt  }
0x48: {  	_ =	shalt  }
0x49: {  	_ =	shalt  }
0x4a: {  	_ =	shalt  }
0x4b: {  	_ =	shalt  }
0x4c: {  	_ =	shalt  }
0x4d: {  	_ =	shalt  }
0x4e: {  	_ =	shalt  }
0x4f: {  	_ =	shalt  }
0x50: {  	_ =	shalt  }
0x51: {  	_ =	shalt  }
0x52: {  	_ =	shalt  }
0x53: {  	_ =	shalt  }
0x54: {  	_ =	shalt  }
0x55: {  	_ =	shalt  }
0x56: {  	_ =	shalt  }
0x57: {  	_ =	shalt  }
0x58: {  	_ =	shalt  }
0x59: {  	_ =	shalt  }
0x5a: {  	_ =	shalt  }
0x5b: {  	_ =	shalt  }
0x5c: {  	_ =	shalt  }
0x5d: {  	_ =	shalt  }
0x5e: {  	_ =	shalt  }
0x5f: {  	_ =	shalt  }
0x60: {  	_ =	shalt  }
0x61: {  	_ =	shalt  }
0x62: {  	_ =	shalt  }
0x63: {  	_ =	shalt  }
0x64: {  	_ =	shalt  }
0x65: {  	_ =	shalt  }
0x66: {  	_ =	shalt  }
0x67: {  	_ =	shalt  }
0x68: {  	_ =	shalt  }
0x69: {  	_ =	shalt  }
0x6a: {  	_ =	shalt  }
0x6b: {  	_ =	shalt  }
0x6c: {  	_ =	shalt  }
0x6d: {  	_ =	shalt  }
0x6e: {  	_ =	shalt  }
0x6f: {  	_ =	shalt  }
0x70: {  	_ =	shalt  }
0x71: {  	_ =	shalt  }
0x72: {  	_ =	shalt  }
0x73: {  	_ =	shalt  }
0x74: {  	_ =	shalt  }
0x75: {  	_ =	shalt  }
0x76: {  	_ =	shalt  }
0x77: {  	_ =	shalt  }
0x78: {  	_ =	shalt  }
0x79: {  	_ =	shalt  }
0x7a: {  	_ =	shalt  }
0x7b: {  	_ =	shalt  }
0x7c: {  	_ =	shalt  }
0x7d: {  	_ =	shalt  }
0x7e: {  	_ =	shalt  }
0x7f: {  	_ =	shalt  }
0x80: {  	_ =	shalt  }
0x81: {  	_ =	shalt  }
0x82: {  	_ =	shalt  }
0x83: {  	_ =	shalt  }
0x84: {  	_ =	shalt  }
0x85: {  	_ =	shalt  }
0x86: {  	_ =	shalt  }
0x87: {  	_ =	shalt  }
.Lfunc_end0:
.L_simem_size_0:
called_computation_lowered:
.L_overlay_start_0:
0x88: {  	s2 =	sld [smem:$0x3FD9]  }
0x89: {  	s3 =	sld [smem:$0x3FFE];
	_ =	sdelay $0x1  }
0x8a: {  	s1 =	srdreg.scid  }
0x8b: {  	s0 =	sand.u32 $0x1, s1  }
0x8c: {  	s17 =	sshll.u32 s0, $0xA;
	s2 =	sadd.s32 s3, s2  }
0x8d: {  	s2 =	sadd.s32 s2, s17  }
0x8e: {  	[smem:$0x3FC2] =	sst s2  }
0x8f: {  	_ = 	snop  }
0x90: {  	s2 =	sld [smem:$0x3FC8]  }
0x91: {  	s18 =	sld [smem:$0x3FC7]  }
0x92: {  	s4 =	sld [smem:$0x3FC6]  }
0x93: {  	s5 =	sld [smem:$0x3FC5];
	(tm) =	ssettm $0x1  }
0x94: {  	s6 =	sld [smem:$0x3FFB];
	_ =	sdelay $0x3  }
0x95: {  	_ =	strace s6  }
0x96: {  	s6 =	sld [smem:$0x3FFC];
	_ =	sdelay $0x3  }
0x97: {  	_ =	strace s6  }
0x98: {  	s6 =	sld [smem:$0x3FFD];
	_ =	sdelay $0x3  }
0x99: {  	_ =	strace s6  }
0x9a: {  	_ =	strace $0x8FFFFFFF  }
0x9b: {  	s19 =	sld [smem:$0x3FDB];
	_ =	sdelay $0x1  }
0x9c: {  	s7 =	simm.s32 $_scs_section_size  }
0x9d: {  	s8 =	simm.s32 $_size__tile_overlayer_lowered;
	s9 =	simm.s32 $_tile_overlayer_lowered  }
0x9e: {  	s22 =	simm.s32 $0x1BFF;
	s21 =	sshll.u32 s9, $0x1;
	s6 =	sadd.s32 s7, s19  }
0x9f: {  	s10 =	simm.s32 $0x0;
	s20 =	sshll.u32 s8, $0x1;
	s8 =	sadd.s32 s21, s6  }
0xa0: {  	[timem:s10], [sflag:s22] =	dma.local [hbm:s8], s20  }
0xa1: {  	_ =	swait.ge [sflag:s22], s20  }
0xa2: {  	s7 =	ssub.s32 $0x0, s20;
	[sflag:s22] =	ssyncset.done $0x0  }
0xa3: {  	[sflag:s22] =	ssyncadd.s32 s7;
	_ =	sdelay $0x1  }
0xa4: {  	s23 =	simm.s32 $0x1B8B  }
0xa5: {  	_ =	swait.ge [sflag:s23], $0x1  }
0xa6: {  	[sflag:s23] =	ssyncset.done $0x0  }
0xa7: {  	s25 =	simm.s32 $0x1B8E;
	s24 =	sld [smem:$0x3FFE];
	[sflag:s23] =	ssyncadd.s32 $0xFFFFFFFF  }
0xa8: {  	s26 =	simm.s32 $execute0_lowered;
	[smem:$0x3FD2] =	sst s25  }
0xa9: {  	s8 =	sshll.u32 s26, $0x1;
	_ =	strace $0x80000046;
	[dreg:$0x1] =	wrdreg $0xFFFFFFFF  }
0xaa: {  	s28 =	simm.s32 $_size_execute0_lowered;
	s6 =	sadd.s32 s6, s8;
	[dreg:$0x0] =	wrdreg $0x0  }
0xab: {  	s8 =	sshll.u32 s28, $0x1;
	[dreg:$0x2] =	wrdreg s6  }
0xac: {  	[dreg:$0x3] =	wrdreg s8  }
0xad: {  	[dreg:$0x4] =	wrdreg $0xC0  }
0xae: {  	_ =	task [dreg:s10], $0x5FFFF  }
0xaf: {  	[dreg:$0x1] =	wrdreg $0xFFFFFFFF  }
0xb0: {  	[dreg:$0x0] =	wrdreg $0x60  }
0xb1: {  	[dreg:$0x2] =	wrdreg s2  }
0xb2: {  	[dreg:$0x3] =	wrdreg s4  }
0xb3: {  	[dreg:$0x4] =	wrdreg s18  }
0xb4: {  	[dreg:$0x5] =	wrdreg s5  }
0xb5: {  	[dreg:$0x6] =	wrdreg s24  }
0xb6: {  	[dreg:$0x7] =	wrdreg $0x9  }
0xb7: {  	_ =	task.clear_ibuf [dreg:s10], $0x8FFFF;
	_ =	strace $0x90000046  }
0xb8: {  	s29 =	simm.s32 $0x9;
	_ =	strace $0x80000048  }
0xb9: {  	_ =	swait.ge [sflag:s29], $0x1  }
0xba: {  	[sflag:s29] =	ssyncadd.s32 $0xFFFFFFFF  }
0xbb: {  	_ =	strace $0x90000048  }
0xbc: {  	_ =	sfence  }
0xbd: {  	s30 =	sld [smem:$0x0];
	_ =	sdelay $0x2  }
0xbe: {  	s31 =	sshll.u32 s1, $0xD;
	s1 =	sshrl.u32 s1, $0x2  }
0xbf: {  	s3 =	sand.u32 $0x4000, s31;
	s1 =	sadd.s32 s1, s30  }
0xc0: {  	s0 =	sor.u32 s3, s0;
	s1 =	sshll.u32 s1, $0x11  }
0xc1: {  	s0 =	sor.u32 s1, s0  }
0xc2: {  	s0 =	sadd.s32 $0x8F2B, s0  }
0xc3: {  	[sflag:s0] =	ssyncadd.remote.s32 $0x1  }
0xc4: {  	_ =	sfence.sel $0xFFFF  }
0xc5: {  	[dreg:$0x0] =	wrdreg $0xFFFFFFFF;
	(pc) =	sbr.abs _section_cstart, $3  }
0xc6: {  	[dreg:$0x1] =	wrdreg $0xFFFFFFFF  }
0xc7: {  	_ =	task.clear_ibuf [dreg:s10], $0x2FFFF;
	_ =	strace $0x9FFFFFFF  }
0xc8: {  	(tm) =	ssettm $0x7FFFFFFF  }
0xc9: {  	_ =	shalt  }
tec
execute0_lowered:
.L_overlay_start_1:
0x0: {  	(tag) =	ssettag $0x1  }
0x1: {  	s1 =	rddreg [dreg:$0x0]  }
0x2: {  	s2 =	rddreg [dreg:$0x1];
	s0 =	srdreg.scid  }
0x3: {  	s6 =	stileid.u32;
	s3 =	rddreg [dreg:$0x2]  }
0x4: {  	s5 =	rddreg [dreg:$0x3];
	s16 =	simm.s32 $0x14000;
	s18 =	simm.s32 $0x400  }
0x5: {  	s19 =	simm.s32 $0x3;
	s0 =	sand.u32 $0x1, s0;
	s4 =	sshll.u32 s6, $0x1  }
0x6: {  	s20 =	simm.s32 $0x0;
	s7 =	sshrl.u32 s6, $0x2;
	s4 =	sor.u32 s0, s4  }
0x7: {  	s6 =	rddreg [dreg:$0x4];
	s8 =	smul.u32 $0x6400, s7;
	s9 =	sshll.u32 s4, $0x7  }
0x8: {  	s7 =	simm.s32 $0x0;
	s0 =	ssub.s32 $0x2, s0;
	s9 =	sand.u32 $0x380, s9  }
0x9: {  	[smem:$0x7FF] =	sst s7;
	s31 =	sshrl.u32 s0, $0x1;
	s8 =	sor.u32 s8, s9  }
0xa: {  	_ =	strace $0x80000047;
	s0 =	ssub.s32 s0, s31;
	s8 =	sshrl.u32 s8, $0x3  }
0xb: {  	s15 =	smax.u32 s0, $0x1;
	s14 =	sadd.s32 s8, s6;
	s8 =	sshll.u32 s4, $0xF  }
0xc: {  	v0 =	vimm.s32 $0x0;
	v1 =	vlaneseq.u32;
	s9 =	sadd.s32 s1, s8;
	s10 =	sadd.s32 s2, s8;
	s11 =	sadd.s32 s3, s8  }
0xd: {  	v2 =	vor.u32 $0x400, v1;
	v3 =	vor.u32 $0x800, v1;
	v4 =	vor.u32 $0xC00, v1;
	s12 =	sadd.s32 s5, s8;
	s13 =	sadd.s32 s6, s8;
	s14 =	sadd.s32 $0x100000, s14  }
.LBB2_1:
0xe: {  	s0 =	simm.s32 $0x0  }
.LBB2_2:
0xf: {  	p0 =	sne.s32 s0, $0x30C0  }
.Ltmp0:
0x10: {  	_ = 	snop;
	(pc) =	sbr.rel @p0 .LBB2_2-.Ltmp0, $3  }
0x11: {  	_ =	sdelay $0x1  }
0x12: {  	s4 =	sshra.s32 s0, $0x2  }
0x13: {  	s0 =	sadd.s32 $0x40, s0;
	[tilespmem:s4+$0x14000] =	vst v0  }
0x14: {  	s21 =	simm.s32 $0x0  }
0x15: {  	s22 =	simm.s32 $0x10;
	s0 =	sadd.s32 $0x0, s9;
	s4 =	simm.s32 $0x100  }
.LBB2_4:
0x16: {  	[tilespmem:s21], [sflag:$0x1] =	stream.linear.gather [hbm4b:s0+s7], $0x80, $0x38;
	[tilespmem:$0x14C80] =	vst v63  }
0x17: {  	s0 =	smov.u32 s22;
	s21 =	smov.u32 s4;
	p0 =	sne.s32 s22, $0x3F0  }
.Ltmp1:
0x18: {  	s22 =	sadd.s32 $0x10, s22;
	(pc) =	sbr.rel @p0 .LBB2_4-.Ltmp1, $2  }
0x19: {  	_ =	sdelay $0x2  }
0x1a: {  	s4 =	sadd.s32 $0x100, s4;
	s0 =	sadd.s32 s0, s9  }
0x1b: {  	[tilespmem:s21], [sflag:$0x1] =	stream.linear.gather [hbm4b:s0+s7], $0x80, $0x38;
	[tilespmem:$0x14C80] =	vst v63  }
0x1c: {  	s21 =	simm.s32 $0x4000  }
0x1d: {  	s22 =	simm.s32 $0x10;
	s0 =	sadd.s32 $0x0, s10;
	s4 =	simm.s32 $0x4100  }
.LBB2_6:
0x1e: {  	[tilespmem:s21], [sflag:$0x1] =	stream.linear.gather [hbm4b:s0+s7], $0x80, $0x38;
	[tilespmem:$0x14C80] =	vst v63  }
0x1f: {  	s0 =	smov.u32 s22;
	s21 =	smov.u32 s4;
	p0 =	sne.s32 s22, $0x3F0  }
.Ltmp2:
0x20: {  	s22 =	sadd.s32 $0x10, s22;
	(pc) =	sbr.rel @p0 .LBB2_6-.Ltmp2, $2  }
0x21: {  	_ =	sdelay $0x2  }
0x22: {  	s4 =	sadd.s32 $0x100, s4;
	s0 =	sadd.s32 s0, s10  }
0x23: {  	[tilespmem:s21], [sflag:$0x1] =	stream.linear.gather [hbm4b:s0+s7], $0x80, $0x38;
	[tilespmem:$0x14C80] =	vst v63  }
0x24: {  	s21 =	simm.s32 $0x8000  }
0x25: {  	s22 =	simm.s32 $0x10;
	s0 =	sadd.s32 $0x0, s11;
	s4 =	simm.s32 $0x8100  }
.LBB2_8:
0x26: {  	[tilespmem:s21], [sflag:$0x1] =	stream.linear.gather [hbm4b:s0+s7], $0x80, $0x38;
	[tilespmem:$0x14C80] =	vst v63  }
0x27: {  	s0 =	smov.u32 s22;
	s21 =	smov.u32 s4;
	p0 =	sne.s32 s22, $0x3F0  }
.Ltmp3:
0x28: {  	s22 =	sadd.s32 $0x10, s22;
	(pc) =	sbr.rel @p0 .LBB2_8-.Ltmp3, $2  }
0x29: {  	_ =	sdelay $0x2  }
0x2a: {  	s4 =	sadd.s32 $0x100, s4;
	s0 =	sadd.s32 s0, s11  }
0x2b: {  	[tilespmem:s21], [sflag:$0x1] =	stream.linear.gather [hbm4b:s0+s7], $0x80, $0x38;
	[tilespmem:$0x14C80] =	vst v63  }
0x2c: {  	s21 =	simm.s32 $0xC000  }
0x2d: {  	s22 =	simm.s32 $0x10;
	s0 =	sadd.s32 $0x0, s12;
	s4 =	simm.s32 $0xC100  }
.LBB2_10:
0x2e: {  	[tilespmem:s21], [sflag:$0x1] =	stream.linear.gather [hbm4b:s0+s7], $0x80, $0x38;
	[tilespmem:$0x14C80] =	vst v63  }
0x2f: {  	s0 =	smov.u32 s22;
	s21 =	smov.u32 s4;
	p0 =	sne.s32 s22, $0x3F0  }
.Ltmp4:
0x30: {  	s22 =	sadd.s32 $0x10, s22;
	(pc) =	sbr.rel @p0 .LBB2_10-.Ltmp4, $2  }
0x31: {  	_ =	sdelay $0x2  }
0x32: {  	s4 =	sadd.s32 $0x100, s4;
	s0 =	sadd.s32 s0, s12  }
0x33: {  	[tilespmem:s21], [sflag:$0x1] =	stream.linear.gather [hbm4b:s0+s7], $0x80, $0x38;
	[tilespmem:$0x14C80] =	vst v63  }
0x34: {  	s21 =	simm.s32 $0x0;
	s0 =	simm.s32 $0x10000;
	s4 =	simm.s32 $0x0  }
.LBB2_12:
0x35: {  	p0 =	seq.s32 s4, $0x3F0  }
.Ltmp5:
0x36: {  	_ = 	snop;
	(pc) =	sbr.rel @!p0 .LBB2_12-.Ltmp5, $4  }
0x37: {  	_ = 	snop  }
0x38: {  	s17 =	sadd.s32 s4, s13  }
0x39: {  	[tilespmem:s0], [sflag:$0x1] =	stream.linear.gather [hbm4b:s17+s21], $0x80, $0x38;
	[tilespmem:$0x14C80] =	vst v63  }
0x3a: {  	s4 =	sadd.s32 $0x10, s4;
	s0 =	sadd.s32 $0x100, s0  }
0x3b: {  	p0 =	por $0x1, $0x1;
	p1 =	por $0x0, $0x0  }
.LBB2_15:
0x3c: {  	p2 =	seq.s32 s21, $0x1F  }
.Ltmp6:
0x3d: {  	_ = 	snop;
	(pc) =	sbr.rel @p2 .LBB2_27-.Ltmp6, $2  }
0x3e: {  	_ =	sdelay $0x2  }
0x3f: {  	s22 =	sand.u32 $0x1, s21;
	s21 =	sadd.s32 $0x1, s21  }
0x40: {  	s0 =	simm.s32 $0x1;
	s26 =	sshll.u32 s21, $0xA;
	s4 =	sxor.u32 $0x1, s22  }
0x41: {  	s0 =	simm.s32 @!p0 $0x0;
	s26 =	sadd.s32 s8, s26;
	s24 =	sadd.s32 $0x1, s4  }
0x42: {  	s4 =	simm.s32 $0x10;
	s30 =	sshll.u32 s0, $0x7;
	s31 =	sadd.s32 s1, s26  }
0x43: {  	s23 =	sor.u32 $0x10000, s30;
	s25 =	sor.u32 $0xC000, s30;
	s28 =	sor.u32 $0x8000, s30  }
0x44: {  	s29 =	sor.u32 $0x4000, s30;
	s17 =	sadd.s32 $0x0, s31;
	s0 =	sadd.s32 $0x100, s30  }
.LBB2_17:
0x45: {  	[tilespmem:s30], [sflag:s24] =	stream.linear.gather [hbm4b:s17+s7], $0x80, $0x38;
	[tilespmem:$0x14C80] =	vst v63  }
0x46: {  	s17 =	smov.u32 s4;
	s30 =	smov.u32 s0;
	p2 =	sne.s32 s4, $0x3F0  }
.Ltmp7:
0x47: {  	s4 =	sadd.s32 $0x10, s4;
	(pc) =	sbr.rel @p2 .LBB2_17-.Ltmp7, $2  }
0x48: {  	_ =	sdelay $0x2  }
0x49: {  	s0 =	sadd.s32 $0x100, s0;
	s17 =	sadd.s32 s17, s31  }
0x4a: {  	[tilespmem:s30], [sflag:s24] =	stream.linear.gather [hbm4b:s17+s7], $0x80, $0x38;
	[tilespmem:$0x14C80] =	vst v63  }
0x4b: {  	s30 =	sadd.s32 s2, s26  }
0x4c: {  	s4 =	simm.s32 $0x10;
	s0 =	sadd.s32 $0x100, s29;
	s17 =	sadd.s32 $0x0, s30  }
.LBB2_19:
0x4d: {  	[tilespmem:s29], [sflag:s24] =	stream.linear.gather [hbm4b:s17+s7], $0x80, $0x38;
	[tilespmem:$0x14C80] =	vst v63  }
0x4e: {  	s17 =	smov.u32 s4;
	s29 =	smov.u32 s0;
	p2 =	sne.s32 s4, $0x3F0  }
.Ltmp8:
0x4f: {  	s4 =	sadd.s32 $0x10, s4;
	(pc) =	sbr.rel @p2 .LBB2_19-.Ltmp8, $2  }
0x50: {  	_ =	sdelay $0x2  }
0x51: {  	s0 =	sadd.s32 $0x100, s0;
	s17 =	sadd.s32 s17, s30  }
0x52: {  	[tilespmem:s29], [sflag:s24] =	stream.linear.gather [hbm4b:s17+s7], $0x80, $0x38;
	[tilespmem:$0x14C80] =	vst v63  }
0x53: {  	s29 =	sadd.s32 s3, s26  }
0x54: {  	s4 =	simm.s32 $0x10;
	s0 =	sadd.s32 $0x100, s28;
	s17 =	sadd.s32 $0x0, s29  }
.LBB2_21:
0x55: {  	[tilespmem:s28], [sflag:s24] =	stream.linear.gather [hbm4b:s17+s7], $0x80, $0x38;
	[tilespmem:$0x14C80] =	vst v63  }
0x56: {  	s17 =	smov.u32 s4;
	s28 =	smov.u32 s0;
	p2 =	sne.s32 s4, $0x3F0  }
.Ltmp9:
0x57: {  	s4 =	sadd.s32 $0x10, s4;
	(pc) =	sbr.rel @p2 .LBB2_21-.Ltmp9, $2  }
0x58: {  	_ =	sdelay $0x2  }
0x59: {  	s0 =	sadd.s32 $0x100, s0;
	s17 =	sadd.s32 s17, s29  }
0x5a: {  	[tilespmem:s28], [sflag:s24] =	stream.linear.gather [hbm4b:s17+s7], $0x80, $0x38;
	[tilespmem:$0x14C80] =	vst v63  }
0x5b: {  	s28 =	sadd.s32 s5, s26  }
0x5c: {  	s4 =	simm.s32 $0x10;
	s0 =	sadd.s32 $0x100, s25;
	s17 =	sadd.s32 $0x0, s28  }
.LBB2_23:
0x5d: {  	[tilespmem:s25], [sflag:s24] =	stream.linear.gather [hbm4b:s17+s7], $0x80, $0x38;
	[tilespmem:$0x14C80] =	vst v63  }
0x5e: {  	s17 =	smov.u32 s4;
	s25 =	smov.u32 s0;
	p2 =	sne.s32 s4, $0x3F0  }
.Ltmp10:
0x5f: {  	s4 =	sadd.s32 $0x10, s4;
	(pc) =	sbr.rel @p2 .LBB2_23-.Ltmp10, $2  }
0x60: {  	_ =	sdelay $0x2  }
0x61: {  	s0 =	sadd.s32 $0x100, s0;
	s17 =	sadd.s32 s17, s28  }
0x62: {  	[tilespmem:s25], [sflag:s24] =	stream.linear.gather [hbm4b:s17+s7], $0x80, $0x38;
	[tilespmem:$0x14C80] =	vst v63  }
0x63: {  	s25 =	sadd.s32 s6, s26  }
0x64: {  	s4 =	simm.s32 $0x10;
	s0 =	sadd.s32 $0x100, s23;
	s17 =	sadd.s32 $0x0, s25  }
.LBB2_25:
0x65: {  	[tilespmem:s23], [sflag:s24] =	stream.linear.gather [hbm4b:s17+s7], $0x80, $0x38;
	[tilespmem:$0x14C80] =	vst v63  }
0x66: {  	s17 =	smov.u32 s4;
	s23 =	smov.u32 s0;
	p2 =	sne.s32 s4, $0x3F0  }
.Ltmp11:
0x67: {  	s4 =	sadd.s32 $0x10, s4;
	(pc) =	sbr.rel @p2 .LBB2_25-.Ltmp11, $2  }
0x68: {  	_ =	sdelay $0x2  }
0x69: {  	s0 =	sadd.s32 $0x100, s0;
	s17 =	sadd.s32 s17, s25  }
0x6a: {  	[tilespmem:s23], [sflag:s24] =	stream.linear.gather [hbm4b:s17+s7], $0x80, $0x38;
	[tilespmem:$0x14C80] =	vst v63  }
.LBB2_27:
0x6b: {  	s0 =	sadd.s32 $0x1, s22  }
0x6c: {  	_ =	swait.ge [sflag:s0], $0x2000  }
0x6d: {  	[sflag:s0] =	ssyncset.done $0x0  }
0x6e: {  	[sflag:s0] =	ssyncadd.s32 $0xFFFFE000  }
0x6f: {  	_ =	swait.ge [sflag:s0], $0x2000  }
0x70: {  	[sflag:s0] =	ssyncset.done $0x0  }
0x71: {  	[sflag:s0] =	ssyncadd.s32 $0xFFFFE000  }
0x72: {  	_ =	swait.ge [sflag:s0], $0x2000  }
0x73: {  	[sflag:s0] =	ssyncset.done $0x0  }
0x74: {  	[sflag:s0] =	ssyncadd.s32 $0xFFFFE000  }
0x75: {  	_ =	swait.ge [sflag:s0], $0x2000  }
0x76: {  	[sflag:s0] =	ssyncset.done $0x0  }
0x77: {  	s4 =	simm.s32 $0x1;
	[sflag:s0] =	ssyncadd.s32 $0xFFFFE000  }
0x78: {  	s4 =	simm.s32 @!p1 $0x0;
	_ =	swait.ge [sflag:s0], $0x2000  }
0x79: {  	s25 =	sshll.u32 s4, $0x7;
	[sflag:s0] =	ssyncset.done $0x0  }
0x7a: {  	s28 =	sor.u32 $0x100, s25;
	[sflag:s0] =	ssyncadd.s32 $0xFFFFE000  }
0x7b: {  	v5 =	vld [tilespmem:s28+$0x70]  }
0x7c: {  	v15 =	vld [tilespmem:s28+$0xFFFFFF00]  }
0x7d: {  	v8 =	vld [tilespmem:s28+$0xFFFFFF10]  }
0x7e: {  	v12 =	vld [tilespmem:s28+$0xFFFFFF20]  }
0x7f: {  	v19 =	vld [tilespmem:s28+$0xFFFFFF30]  }
0x80: {  	s22 =	sor.u32 $0x10100, s25;
	v21 =	vld [tilespmem:s28+$0xFFFFFF40]  }
0x81: {  	v20 =	vld [tilespmem:s22+$0x70]  }
0x82: {  	v22 =	vld [tilespmem:s28+$0xFFFFFF50]  }
0x83: {  	v23 =	vld [tilespmem:s28+$0xFFFFFF60]  }
0x84: {  	v24 =	vld [tilespmem:s28+$0xFFFFFF70]  }
0x85: {  	v25 =	vld [tilespmem:s28+$0x0]  }
0x86: {  	v26 =	vld [tilespmem:s28+$0x10]  }
0x87: {  	v27 =	vld [tilespmem:s28+$0x20]  }
0x88: {  	v28 =	vld [tilespmem:s28+$0x30]  }
0x89: {  	v29 =	vld [tilespmem:s28+$0x40]  }
0x8a: {  	v30 =	vld [tilespmem:s28+$0x50]  }
0x8b: {  	v31 =	vld [tilespmem:s28+$0x60]  }
0x8c: {  	v18 =	vld [tilespmem:s22+$0xFFFFFF10]  }
0x8d: {  	v17 =	vld [tilespmem:s22+$0xFFFFFF20]  }
0x8e: {  	v16 =	vld [tilespmem:s22+$0xFFFFFF30];
	v5 =	vshll.u32 v5, $0x4  }
0x8f: {  	v9 =	vld [tilespmem:s22+$0xFFFFFF50];
	v5 =	vor.u32 v1, v5  }
0x90: {  	v10 =	vld [tilespmem:s22+$0xFFFFFF60]  }
0x91: {  	v11 =	vld [tilespmem:s22+$0xFFFFFF70]  }
0x92: {  	v7 =	vld [tilespmem:s22+$0x0];
	v32 =	vshll.u32 v8, $0x4  }
0x93: {  	v35 =	vshll.u32 v15, $0x4;
	v36 =	vshll.u32 v19, $0x4;
	v19 =	vld [tilespmem:s22+$0xFFFFFF00];
	v32 =	vor.u32 v1, v32  }
0x94: {  	s23 =	sor.u32 $0x4100, s25;
	v35 =	vor.u32 v1, v35;
	[tilespmem:v5+s16+$0x0] =	vst.idx.add.s32.msk $0xffff, v20  }
0x95: {  	v22 =	vshll.u32 v22, $0x4;
	v36 =	vor.u32 v1, v36;
	v5 =	vld [tilespmem:s23+$0x70]  }
0x96: {  	v8 =	vld [tilespmem:s22+$0x20];
	v23 =	vshll.u32 v23, $0x4;
	v22 =	vor.u32 v1, v22  }
0x97: {  	v15 =	vld [tilespmem:s22+$0x60];
	v23 =	vor.u32 v1, v23  }
0x98: {  	v24 =	vshll.u32 v24, $0x4;
	[tilespmem:v32+s16+$0x0] =	vst.idx.add.s32.msk $0xffff, v18  }
0x99: {  	v25 =	vshll.u32 v25, $0x4;
	v24 =	vor.u32 v1, v24;
	[tilespmem:v35+s16+$0x0] =	vst.idx.add.s32.msk $0xffff, v19  }
0x9a: {  	v25 =	vor.u32 v1, v25;
	[tilespmem:v36+s16+$0x0] =	vst.idx.add.s32.msk $0xffff, v16;
	v5 =	vshll.u32 v5, $0x4  }
0x9b: {  	[tilespmem:v22+s16+$0x0] =	vst.idx.add.s32.msk $0xffff, v9;
	v6 =	vadd.s32 v2, v5  }
0x9c: {  	v21 =	vshll.u32 v21, $0x4;
	[tilespmem:v23+s16+$0x0] =	vst.idx.add.s32.msk $0xffff, v10  }
0x9d: {  	v21 =	vor.u32 v1, v21;
	v5 =	vld [tilespmem:s22+$0xFFFFFF40]  }
0x9e: {  	[tilespmem:v24+s16+$0x0] =	vst.idx.add.s32.msk $0xffff, v11  }
0x9f: {  	[tilespmem:v25+s16+$0x0] =	vst.idx.add.s32.msk $0xffff, v7  }
0xa0: {  	[tilespmem:v6+s16+$0x0] =	vst.idx.add.s32.msk $0xffff, v20  }
0xa1: {  	v26 =	vshll.u32 v26, $0x4;
	v27 =	vshll.u32 v27, $0x4;
	v6 =	vld [tilespmem:s22+$0x10]  }
0xa2: {  	v26 =	vor.u32 v1, v26;
	[tilespmem:v21+s16+$0x0] =	vst.idx.add.s32.msk $0xffff, v5;
	v21 =	vor.u32 v1, v27;
	v27 =	vshll.u32 v28, $0x4  }
0xa3: {  	s24 =	sor.u32 $0xC100, s25;
	v28 =	vld [tilespmem:s23+$0xFFFFFF70];
	v22 =	vor.u32 v1, v27;
	v27 =	vshll.u32 v29, $0x4  }
0xa4: {  	v13 =	vld [tilespmem:s24+$0x70];
	v23 =	vor.u32 v1, v27;
	v27 =	vshll.u32 v30, $0x4  }
0xa5: {  	v29 =	vld [tilespmem:s23+$0x0];
	v24 =	vor.u32 v1, v27;
	v27 =	vshll.u32 v31, $0x4  }
0xa6: {  	v25 =	vor.u32 v1, v27;
	v27 =	vld [tilespmem:s23+$0xFFFFFF60]  }
0xa7: {  	[tilespmem:v26+s16+$0x0] =	vst.idx.add.s32.msk $0xffff, v6  }
0xa8: {  	[tilespmem:v21+s16+$0x0] =	vst.idx.add.s32.msk $0xffff, v8  }
0xa9: {  	v21 =	vld [tilespmem:s23+$0xFFFFFF00]  }
0xaa: {  	v26 =	vld [tilespmem:s23+$0xFFFFFF50]  }
0xab: {  	v30 =	vld [tilespmem:s23+$0x10]  }
0xac: {  	v14 =	vshrl.u32 v13, $0x6;
	v31 =	vld [tilespmem:s23+$0x20]  }
0xad: {  	v13 =	vxor.u32 v13, v14;
	v14 =	vshll.u32 v12, $0x4;
	v12 =	vld [tilespmem:s22+$0x30]  }
0xae: {  	v33 =	vshll.u32 v13, $0x4;
	v13 =	vld [tilespmem:s22+$0x40]  }
0xaf: {  	v34 =	vor.u32 v1, v14;
	v14 =	vld [tilespmem:s22+$0x50]  }
0xb0: {  	[tilespmem:v25+s16+$0x0] =	vst.idx.add.s32.msk $0xffff, v15  }
0xb1: {  	v25 =	vld [tilespmem:s23+$0xFFFFFF40]  }
0xb2: {  	v46 =	vld [tilespmem:s23+$0x60]  }
0xb3: {  	[tilespmem:v22+s16+$0x0] =	vst.idx.add.s32.msk $0xffff, v12  }
0xb4: {  	v22 =	vld [tilespmem:s23+$0xFFFFFF10]  }
0xb5: {  	[tilespmem:v34+s16+$0x0] =	vst.idx.add.s32.msk $0xffff, v17  }
0xb6: {  	[tilespmem:v23+s16+$0x0] =	vst.idx.add.s32.msk $0xffff, v13  }
0xb7: {  	v33 =	vand.u32 $0x3F0, v33;
	[tilespmem:v24+s16+$0x0] =	vst.idx.add.s32.msk $0xffff, v14  }
0xb8: {  	v33 =	vor.u32 v3, v33;
	v21 =	vshll.u32 v21, $0x4;
	v24 =	vld [tilespmem:s23+$0xFFFFFF30]  }
0xb9: {  	v21 =	vadd.s32 v2, v21;
	v43 =	vld [tilespmem:s23+$0x30]  }
0xba: {  	v26 =	vshll.u32 v26, $0x4;
	v23 =	vld [tilespmem:s23+$0xFFFFFF20]  }
0xbb: {  	v26 =	vadd.s32 v2, v26;
	v44 =	vld [tilespmem:s23+$0x40]  }
0xbc: {  	v25 =	vshll.u32 v25, $0x4;
	v45 =	vld [tilespmem:s23+$0x50]  }
0xbd: {  	v27 =	vshll.u32 v27, $0x4;
	[tilespmem:v33+s16+$0x0] =	vst.idx.add.s32.msk $0xffff, v20;
	v25 =	vadd.s32 v2, v25  }
0xbe: {  	s25 =	sor.u32 $0x8100, s25;
	[tilespmem:v21+s16+$0x0] =	vst.idx.add.s32.msk $0xffff, v19;
	v21 =	vadd.s32 v2, v27  }
0xbf: {  	v42 =	vld [tilespmem:s25+$0x70];
	v22 =	vshll.u32 v22, $0x4  }
0xc0: {  	[tilespmem:v26+s16+$0x0] =	vst.idx.add.s32.msk $0xffff, v9;
	v22 =	vadd.s32 v2, v22;
	v24 =	vshll.u32 v24, $0x4  }
0xc1: {  	v47 =	vld [tilespmem:s24+$0xFFFFFF50];
	v23 =	vshll.u32 v23, $0x4;
	v24 =	vadd.s32 v2, v24  }
0xc2: {  	v27 =	vshll.u32 v28, $0x4;
	v28 =	vshll.u32 v45, $0x4;
	v23 =	vadd.s32 v2, v23;
	[tilespmem:v25+s16+$0x0] =	vst.idx.add.s32.msk $0xffff, v5  }
0xc3: {  	v28 =	vadd.s32 v2, v28;
	[tilespmem:v21+s16+$0x0] =	vst.idx.add.s32.msk $0xffff, v10  }
0xc4: {  	v21 =	vld [tilespmem:s24+$0xFFFFFF00]  }
0xc5: {  	[tilespmem:v22+s16+$0x0] =	vst.idx.add.s32.msk $0xffff, v18;
	v22 =	vadd.s32 v2, v27  }
0xc6: {  	[tilespmem:v24+s16+$0x0] =	vst.idx.add.s32.msk $0xffff, v16  }
0xc7: {  	v27 =	vshll.u32 v29, $0x4;
	[tilespmem:v23+s16+$0x0] =	vst.idx.add.s32.msk $0xffff, v17  }
0xc8: {  	v23 =	vadd.s32 v2, v27;
	v27 =	vshll.u32 v30, $0x4;
	[tilespmem:v28+s16+$0x0] =	vst.idx.add.s32.msk $0xffff, v14  }
0xc9: {  	v24 =	vadd.s32 v2, v27;
	v59 =	vld [tilespmem:s24+$0x50]  }
0xca: {  	[tilespmem:v22+s16+$0x0] =	vst.idx.add.s32.msk $0xffff, v11  }
0xcb: {  	v27 =	vshll.u32 v31, $0x4;
	v31 =	vshrl.u32 v21, $0x6;
	v22 =	vld [tilespmem:s24+$0xFFFFFF10]  }
0xcc: {  	v21 =	vxor.u32 v21, v31;
	v49 =	vld [tilespmem:s24+$0xFFFFFF70]  }
0xcd: {  	v25 =	vadd.s32 v2, v27;
	v21 =	vshll.u32 v21, $0x4;
	[tilespmem:v23+s16+$0x0] =	vst.idx.add.s32.msk $0xffff, v7  }
0xce: {  	v21 =	vand.u32 $0x3F0, v21;
	[tilespmem:v24+s16+$0x0] =	vst.idx.add.s32.msk $0xffff, v6  }
0xcf: {  	v26 =	vshll.u32 v44, $0x4;
	v21 =	vor.u32 v3, v21;
	v24 =	vld [tilespmem:s24+$0xFFFFFF20]  }
0xd0: {  	v26 =	vadd.s32 v2, v26;
	v30 =	vshll.u32 v46, $0x4;
	v50 =	vld [tilespmem:s24+$0x0]  }
0xd1: {  	v30 =	vadd.s32 v2, v30;
	v27 =	vld [tilespmem:s24+$0xFFFFFF30];
	v23 =	vshll.u32 v42, $0x4;
	v31 =	vshrl.u32 v22, $0x6  }
0xd2: {  	v23 =	vadd.s32 v4, v23;
	[tilespmem:v25+s16+$0x0] =	vst.idx.add.s32.msk $0xffff, v8;
	v25 =	vshll.u32 v43, $0x4;
	v22 =	vxor.u32 v22, v31  }
0xd3: {  	v29 =	vld [tilespmem:s24+$0xFFFFFF40];
	v25 =	vadd.s32 v2, v25;
	v53 =	vshrl.u32 v49, $0x6;
	v22 =	vshll.u32 v22, $0x4  }
0xd4: {  	v33 =	vxor.u32 v49, v53;
	[tilespmem:v21+s16+$0x0] =	vst.idx.add.s32.msk $0xffff, v19;
	v21 =	vshrl.u32 v59, $0x6;
	v31 =	vshrl.u32 v24, $0x6  }
0xd5: {  	[tilespmem:v26+s16+$0x0] =	vst.idx.add.s32.msk $0xffff, v13;
	v54 =	vshrl.u32 v50, $0x6;
	v26 =	vshll.u32 v33, $0x4;
	v22 =	vand.u32 $0x3F0, v22  }
0xd6: {  	v48 =	vld [tilespmem:s24+$0xFFFFFF60];
	v21 =	vxor.u32 v59, v21;
	v24 =	vxor.u32 v24, v31;
	v31 =	vshrl.u32 v27, $0x6  }
0xd7: {  	v57 =	vld [tilespmem:s24+$0x40];
	v55 =	vxor.u32 v50, v54;
	v22 =	vor.u32 v3, v22;
	v26 =	vand.u32 $0x3F0, v26  }
0xd8: {  	[tilespmem:v30+s16+$0x0] =	vst.idx.add.s32.msk $0xffff, v15;
	v21 =	vshll.u32 v21, $0x4;
	v24 =	vshll.u32 v24, $0x4;
	v27 =	vxor.u32 v27, v31  }
0xd9: {  	v51 =	vld [tilespmem:s24+$0x10];
	v31 =	vshrl.u32 v29, $0x6;
	v33 =	vshll.u32 v55, $0x4;
	v26 =	vor.u32 v3, v26  }
0xda: {  	v37 =	vld [tilespmem:s24+$0x20];
	v21 =	vand.u32 $0x3F0, v21;
	v27 =	vshll.u32 v27, $0x4;
	v29 =	vxor.u32 v29, v31  }
0xdb: {  	[tilespmem:v25+s16+$0x0] =	vst.idx.add.s32.msk $0xffff, v12;
	v31 =	vshrl.u32 v47, $0x6;
	v24 =	vand.u32 $0x3F0, v24;
	v21 =	vor.u32 v3, v21  }
0xdc: {  	v52 =	vld [tilespmem:s24+$0x30];
	v25 =	vshll.u32 v29, $0x4;
	v29 =	vxor.u32 v47, v31;
	v31 =	vshrl.u32 v48, $0x6  }
0xdd: {  	[tilespmem:v23+s16+$0x0] =	vst.idx.add.s32.msk $0xffff, v20;
	v23 =	vand.u32 $0x3F0, v27;
	v24 =	vor.u32 v3, v24;
	v27 =	vshrl.u32 v57, $0x6  }
0xde: {  	v29 =	vshll.u32 v29, $0x4;
	v31 =	vxor.u32 v48, v31;
	v25 =	vand.u32 $0x3F0, v25;
	[tilespmem:v22+s16+$0x0] =	vst.idx.add.s32.msk $0xffff, v18  }
0xdf: {  	v23 =	vor.u32 v3, v23;
	v27 =	vxor.u32 v57, v27;
	v31 =	vshll.u32 v31, $0x4;
	[tilespmem:v26+s16+$0x0] =	vst.idx.add.s32.msk $0xffff, v11  }
0xe0: {  	v29 =	vand.u32 $0x3F0, v29;
	v25 =	vor.u32 v3, v25;
	v22 =	vshll.u32 v27, $0x4;
	[tilespmem:v21+s16+$0x0] =	vst.idx.add.s32.msk $0xffff, v14  }
0xe1: {  	v27 =	vand.u32 $0x3F0, v33;
	v29 =	vor.u32 v3, v29;
	v28 =	vshrl.u32 v52, $0x6;
	v21 =	vld [tilespmem:s25+$0xFFFFFF10]  }
0xe2: {  	v30 =	vand.u32 $0x3F0, v31;
	v27 =	vor.u32 v3, v27;
	v20 =	vxor.u32 v52, v28;
	v28 =	vld [tilespmem:s24+$0x60]  }
0xe3: {  	v22 =	vand.u32 $0x3F0, v22;
	v30 =	vor.u32 v3, v30;
	[tilespmem:v24+s16+$0x0] =	vst.idx.add.s32.msk $0xffff, v17  }
0xe4: {  	v56 =	vshrl.u32 v51, $0x6;
	v22 =	vor.u32 v3, v22;
	[tilespmem:v23+s16+$0x0] =	vst.idx.add.s32.msk $0xffff, v16  }
0xe5: {  	v34 =	vxor.u32 v51, v56;
	[tilespmem:v25+s16+$0x0] =	vst.idx.add.s32.msk $0xffff, v5  }
0xe6: {  	v34 =	vshll.u32 v34, $0x4;
	[tilespmem:v29+s16+$0x0] =	vst.idx.add.s32.msk $0xffff, v9  }
0xe7: {  	v24 =	vand.u32 $0x3F0, v34;
	[tilespmem:v27+s16+$0x0] =	vst.idx.add.s32.msk $0xffff, v7  }
0xe8: {  	v24 =	vor.u32 v3, v24;
	[tilespmem:v30+s16+$0x0] =	vst.idx.add.s32.msk $0xffff, v10  }
0xe9: {  	v20 =	vshll.u32 v20, $0x4;
	[tilespmem:v22+s16+$0x0] =	vst.idx.add.s32.msk $0xffff, v13;
	v23 =	vshrl.u32 v28, $0x6  }
0xea: {  	v20 =	vand.u32 $0x3F0, v20;
	v22 =	vld [tilespmem:s25+$0xFFFFFF20];
	v23 =	vxor.u32 v28, v23  }
0xeb: {  	v58 =	vshrl.u32 v37, $0x6;
	v20 =	vor.u32 v3, v20;
	v29 =	vld [tilespmem:s25+$0x0];
	v23 =	vshll.u32 v23, $0x4  }
0xec: {  	v36 =	vxor.u32 v37, v58;
	v27 =	vld [tilespmem:s25+$0xFFFFFF60];
	v23 =	vand.u32 $0x3F0, v23  }
0xed: {  	v36 =	vshll.u32 v36, $0x4;
	[tilespmem:v24+s16+$0x0] =	vst.idx.add.s32.msk $0xffff, v6;
	v23 =	vor.u32 v3, v23  }
0xee: {  	v31 =	vand.u32 $0x3F0, v36;
	v24 =	vld [tilespmem:s25+$0xFFFFFF40]  }
0xef: {  	v25 =	vor.u32 v3, v31;
	v28 =	vld [tilespmem:s25+$0xFFFFFF70]  }
0xf0: {  	[tilespmem:v20+s16+$0x0] =	vst.idx.add.s32.msk $0xffff, v12  }
0xf1: {  	v20 =	vld [tilespmem:s25+$0xFFFFFF00]  }
0xf2: {  	[tilespmem:v23+s16+$0x0] =	vst.idx.add.s32.msk $0xffff, v15  }
0xf3: {  	v23 =	vld [tilespmem:s25+$0xFFFFFF30]  }
0xf4: {  	[tilespmem:v25+s16+$0x0] =	vst.idx.add.s32.msk $0xffff, v8  }
0xf5: {  	v25 =	vld [tilespmem:s25+$0xFFFFFF50]  }
0xf6: {  	v21 =	vshll.u32 v21, $0x4;
	v30 =	vld [tilespmem:s25+$0x10]  }
0xf7: {  	v21 =	vadd.s32 v4, v21;
	v31 =	vld [tilespmem:s25+$0x20];
	v20 =	vshll.u32 v20, $0x4  }
0xf8: {  	v22 =	vshll.u32 v22, $0x4;
	v60 =	vld [tilespmem:s25+$0x30];
	v20 =	vadd.s32 v4, v20;
	v23 =	vshll.u32 v23, $0x4  }
0xf9: {  	v61 =	vadd.s32 v4, v22;
	v22 =	vshll.u32 v24, $0x4;
	v62 =	vadd.s32 v4, v23;
	v23 =	vld [tilespmem:s25+$0x40]  }
0xfa: {  	v63 =	vld [tilespmem:s25+$0x50];
	v24 =	vshll.u32 v27, $0x4;
	v26 =	vadd.s32 v4, v22;
	v22 =	vshll.u32 v25, $0x4  }
0xfb: {  	v24 =	vadd.s32 v4, v24;
	v27 =	vadd.s32 v4, v22;
	v22 =	vshll.u32 v28, $0x4;
	v28 =	vld [tilespmem:s25+$0x60]  }
0xfc: {  	[tilespmem:v21+s16+$0x0] =	vst.idx.add.s32.msk $0xffff, v18;
	v25 =	vadd.s32 v4, v22;
	v22 =	vshll.u32 v29, $0x4;
	v29 =	vshll.u32 v30, $0x4  }
0xfd: {  	v18 =	vshll.u32 v60, $0x4;
	v22 =	vadd.s32 v4, v22;
	[tilespmem:v20+s16+$0x0] =	vst.idx.add.s32.msk $0xffff, v19;
	v20 =	vshll.u32 v31, $0x4  }
0xfe: {  	[tilespmem:v61+s16+$0x0] =	vst.idx.add.s32.msk $0xffff, v17;
	v19 =	vadd.s32 v4, v29;
	v20 =	vadd.s32 v4, v20;
	v17 =	vshll.u32 v23, $0x4  }
0xff: {  	s26 =	simm.s32 $0x0;
	s28 =	sadd.s32 $0x200, s28;
	v23 =	vadd.s32 v4, v18;
	[tilespmem:v62+s16+$0x0] =	vst.idx.add.s32.msk $0xffff, v16;
	v16 =	vshll.u32 v63, $0x4;
	v21 =	vadd.s32 v4, v17  }
.LBB2_28:
0x100: {  	v17 =	vld [tilespmem:s28+$0x70];
	s26 =	sadd.s32 $0x10, s26;
	v29 =	vadd.s32 v4, v16;
	v16 =	vshll.u32 v28, $0x4  }
0x101: {  	v18 =	vld [tilespmem:s28+$0xFFFFFF00];
	p2 =	slt.u32 s26, $0x1F0;
	v28 =	vadd.s32 v4, v16  }
0x102: {  	v16 =	vld [tilespmem:s28+$0xFFFFFF10]  }
0x103: {  	v30 =	vld [tilespmem:s28+$0xFFFFFF20]  }
0x104: {  	v31 =	vld [tilespmem:s28+$0xFFFFFF30]  }
0x105: {  	s22 =	sadd.s32 $0x200, s22;
	v32 =	vld [tilespmem:s28+$0xFFFFFF40];
	v17 =	vshll.u32 v17, $0x4  }
0x106: {  	v18 =	vshll.u32 v18, $0x4;
	v42 =	vld [tilespmem:s22+$0x70];
	v17 =	vor.u32 v1, v17  }
0x107: {  	v43 =	vor.u32 v1, v18;
	v16 =	vshll.u32 v16, $0x4;
	v18 =	vld [tilespmem:s28+$0xFFFFFF50]  }
0x108: {  	v44 =	vor.u32 v1, v16;
	v16 =	vshll.u32 v30, $0x4;
	v30 =	vld [tilespmem:s28+$0xFFFFFF60]  }
0x109: {  	v45 =	vor.u32 v1, v16;
	v16 =	vshll.u32 v31, $0x4;
	v31 =	vld [tilespmem:s28+$0xFFFFFF70]  }
0x10a: {  	v46 =	vor.u32 v1, v16;
	v16 =	vshll.u32 v32, $0x4;
	v32 =	vld [tilespmem:s28+$0x0]  }
0x10b: {  	s23 =	sadd.s32 $0x200, s23;
	v47 =	vor.u32 v1, v16;
	[tilespmem:v17+s16+$0x0] =	vst.idx.add.s32.msk $0xffff, v42  }
0x10c: {  	v16 =	vshll.u32 v18, $0x4;
	v17 =	vld [tilespmem:s23+$0x70]  }
0x10d: {  	v48 =	vor.u32 v1, v16;
	v16 =	vshll.u32 v30, $0x4;
	v18 =	vld [tilespmem:s28+$0x10]  }
0x10e: {  	v49 =	vor.u32 v1, v16;
	v16 =	vshll.u32 v31, $0x4;
	v30 =	vld [tilespmem:s28+$0x20]  }
0x10f: {  	v50 =	vor.u32 v1, v16;
	v16 =	vshll.u32 v32, $0x4;
	v31 =	vld [tilespmem:s28+$0x30]  }
0x110: {  	v51 =	vor.u32 v1, v16;
	v32 =	vld [tilespmem:s28+$0x40]  }
0x111: {  	v33 =	vld [tilespmem:s28+$0x50];
	v16 =	vshll.u32 v17, $0x4  }
0x112: {  	v17 =	vshll.u32 v18, $0x4;
	v34 =	vld [tilespmem:s28+$0x60];
	v35 =	vadd.s32 v2, v16  }
0x113: {  	v16 =	vld [tilespmem:s22+$0xFFFFFF10];
	v52 =	vor.u32 v1, v17;
	v18 =	vshll.u32 v30, $0x4  }
0x114: {  	v17 =	vld [tilespmem:s22+$0xFFFFFF20];
	v53 =	vor.u32 v1, v18;
	v30 =	vshll.u32 v31, $0x4  }
0x115: {  	v18 =	vld [tilespmem:s22+$0xFFFFFF30];
	v54 =	vor.u32 v1, v30;
	v30 =	vshll.u32 v32, $0x4  }
0x116: {  	v39 =	vld [tilespmem:s22+$0xFFFFFF40];
	v55 =	vor.u32 v1, v30;
	v30 =	vshll.u32 v33, $0x4  }
0x117: {  	s24 =	sadd.s32 $0x200, s24;
	v56 =	vor.u32 v1, v30;
	v30 =	vshll.u32 v34, $0x4;
	[tilespmem:v35+s16+$0x0] =	vst.idx.add.s32.msk $0xffff, v42  }
0x118: {  	v57 =	vor.u32 v1, v30;
	v30 =	vld [tilespmem:s24+$0x70]  }
0x119: {  	v41 =	vld [tilespmem:s22+$0xFFFFFF50]  }
0x11a: {  	v40 =	vld [tilespmem:s22+$0xFFFFFF60]  }
0x11b: {  	v38 =	vld [tilespmem:s22+$0xFFFFFF70]  }
0x11c: {  	v37 =	vld [tilespmem:s22+$0x0]  }
0x11d: {  	v36 =	vld [tilespmem:s22+$0x10];
	v31 =	vshrl.u32 v30, $0x6  }
0x11e: {  	v35 =	vld [tilespmem:s22+$0x20];
	v30 =	vxor.u32 v30, v31  }
0x11f: {  	v34 =	vld [tilespmem:s22+$0x30];
	v30 =	vshll.u32 v30, $0x4  }
0x120: {  	v33 =	vld [tilespmem:s22+$0x40];
	v30 =	vand.u32 $0x3F0, v30  }
0x121: {  	v32 =	vld [tilespmem:s22+$0x50];
	v58 =	vor.u32 v3, v30  }
0x122: {  	v31 =	vld [tilespmem:s22+$0x60]  }
0x123: {  	v30 =	vld [tilespmem:s22+$0xFFFFFF00]  }
0x124: {  	[tilespmem:v44+s16+$0x0] =	vst.idx.add.s32.msk $0xffff, v16  }
0x125: {  	[tilespmem:v45+s16+$0x0] =	vst.idx.add.s32.msk $0xffff, v17  }
0x126: {  	s25 =	sadd.s32 $0x200, s25;
	[tilespmem:v58+s16+$0x0] =	vst.idx.add.s32.msk $0xffff, v42  }
0x127: {  	v44 =	vld [tilespmem:s25+$0x70]  }
0x128: {  	[tilespmem:v43+s16+$0x0] =	vst.idx.add.s32.msk $0xffff, v30  }
0x129: {  	[tilespmem:v46+s16+$0x0] =	vst.idx.add.s32.msk $0xffff, v18  }
0x12a: {  	[tilespmem:v47+s16+$0x0] =	vst.idx.add.s32.msk $0xffff, v39  }
0x12b: {  	[tilespmem:v48+s16+$0x0] =	vst.idx.add.s32.msk $0xffff, v41  }
0x12c: {  	[tilespmem:v49+s16+$0x0] =	vst.idx.add.s32.msk $0xffff, v40;
	v43 =	vshll.u32 v44, $0x4  }
0x12d: {  	[tilespmem:v50+s16+$0x0] =	vst.idx.add.s32.msk $0xffff, v38;
	v43 =	vadd.s32 v4, v43  }
0x12e: {  	[tilespmem:v51+s16+$0x0] =	vst.idx.add.s32.msk $0xffff, v37  }
0x12f: {  	[tilespmem:v52+s16+$0x0] =	vst.idx.add.s32.msk $0xffff, v36  }
0x130: {  	[tilespmem:v53+s16+$0x0] =	vst.idx.add.s32.msk $0xffff, v35  }
0x131: {  	[tilespmem:v54+s16+$0x0] =	vst.idx.add.s32.msk $0xffff, v34  }
0x132: {  	[tilespmem:v43+s16+$0x0] =	vst.idx.add.s32.msk $0xffff, v42  }
0x133: {  	[tilespmem:v55+s16+$0x0] =	vst.idx.add.s32.msk $0xffff, v33  }
0x134: {  	[tilespmem:v56+s16+$0x0] =	vst.idx.add.s32.msk $0xffff, v32  }
0x135: {  	[tilespmem:v57+s16+$0x0] =	vst.idx.add.s32.msk $0xffff, v31  }
0x136: {  	v42 =	vld [tilespmem:s23+$0xFFFFFF00]  }
0x137: {  	v43 =	vld [tilespmem:s23+$0xFFFFFF10]  }
0x138: {  	v44 =	vld [tilespmem:s23+$0xFFFFFF20]  }
0x139: {  	v45 =	vld [tilespmem:s23+$0xFFFFFF30]  }
0x13a: {  	v46 =	vld [tilespmem:s23+$0xFFFFFF40]  }
0x13b: {  	v42 =	vshll.u32 v42, $0x4;
	v47 =	vld [tilespmem:s23+$0xFFFFFF50]  }
0x13c: {  	v42 =	vadd.s32 v2, v42;
	v43 =	vshll.u32 v43, $0x4;
	v48 =	vld [tilespmem:s23+$0xFFFFFF60]  }
0x13d: {  	v43 =	vadd.s32 v2, v43;
	v44 =	vshll.u32 v44, $0x4;
	v49 =	vld [tilespmem:s23+$0xFFFFFF70]  }
0x13e: {  	v44 =	vadd.s32 v2, v44;
	v45 =	vshll.u32 v45, $0x4;
	v50 =	vld [tilespmem:s23+$0x0]  }
0x13f: {  	v45 =	vadd.s32 v2, v45;
	v46 =	vshll.u32 v46, $0x4;
	v51 =	vld [tilespmem:s23+$0x10]  }
0x140: {  	v46 =	vadd.s32 v2, v46;
	v47 =	vshll.u32 v47, $0x4;
	v52 =	vld [tilespmem:s23+$0x20]  }
0x141: {  	v47 =	vadd.s32 v2, v47;
	v48 =	vshll.u32 v48, $0x4;
	v53 =	vld [tilespmem:s23+$0x30]  }
0x142: {  	v48 =	vadd.s32 v2, v48;
	v49 =	vshll.u32 v49, $0x4;
	v54 =	vld [tilespmem:s23+$0x40]  }
0x143: {  	v49 =	vadd.s32 v2, v49;
	v50 =	vshll.u32 v50, $0x4;
	v55 =	vld [tilespmem:s23+$0x50]  }
0x144: {  	v50 =	vadd.s32 v2, v50;
	v51 =	vshll.u32 v51, $0x4;
	v56 =	vld [tilespmem:s23+$0x60]  }
0x145: {  	[tilespmem:v42+s16+$0x0] =	vst.idx.add.s32.msk $0xffff, v30;
	v42 =	vadd.s32 v2, v51;
	v51 =	vshll.u32 v52, $0x4  }
0x146: {  	[tilespmem:v43+s16+$0x0] =	vst.idx.add.s32.msk $0xffff, v16;
	v43 =	vadd.s32 v2, v51;
	v51 =	vshll.u32 v53, $0x4  }
0x147: {  	[tilespmem:v44+s16+$0x0] =	vst.idx.add.s32.msk $0xffff, v17;
	v44 =	vadd.s32 v2, v51;
	v51 =	vshll.u32 v54, $0x4  }
0x148: {  	[tilespmem:v45+s16+$0x0] =	vst.idx.add.s32.msk $0xffff, v18;
	v45 =	vadd.s32 v2, v51;
	v51 =	vshll.u32 v55, $0x4  }
0x149: {  	[tilespmem:v46+s16+$0x0] =	vst.idx.add.s32.msk $0xffff, v39;
	v46 =	vadd.s32 v2, v51;
	v51 =	vshll.u32 v56, $0x4  }
0x14a: {  	[tilespmem:v47+s16+$0x0] =	vst.idx.add.s32.msk $0xffff, v41;
	v47 =	vadd.s32 v2, v51  }
0x14b: {  	[tilespmem:v48+s16+$0x0] =	vst.idx.add.s32.msk $0xffff, v40  }
0x14c: {  	[tilespmem:v49+s16+$0x0] =	vst.idx.add.s32.msk $0xffff, v38  }
0x14d: {  	[tilespmem:v50+s16+$0x0] =	vst.idx.add.s32.msk $0xffff, v37  }
0x14e: {  	[tilespmem:v42+s16+$0x0] =	vst.idx.add.s32.msk $0xffff, v36  }
0x14f: {  	[tilespmem:v43+s16+$0x0] =	vst.idx.add.s32.msk $0xffff, v35  }
0x150: {  	[tilespmem:v44+s16+$0x0] =	vst.idx.add.s32.msk $0xffff, v34  }
0x151: {  	[tilespmem:v45+s16+$0x0] =	vst.idx.add.s32.msk $0xffff, v33  }
0x152: {  	[tilespmem:v46+s16+$0x0] =	vst.idx.add.s32.msk $0xffff, v32  }
0x153: {  	[tilespmem:v47+s16+$0x0] =	vst.idx.add.s32.msk $0xffff, v31  }
0x154: {  	v42 =	vld [tilespmem:s24+$0xFFFFFF00]  }
0x155: {  	v43 =	vld [tilespmem:s24+$0xFFFFFF10]  }
0x156: {  	v44 =	vld [tilespmem:s24+$0xFFFFFF20]  }
0x157: {  	v45 =	vld [tilespmem:s24+$0xFFFFFF30]  }
0x158: {  	v46 =	vld [tilespmem:s24+$0xFFFFFF40]  }
0x159: {  	v47 =	vshrl.u32 v42, $0x6;
	v48 =	vld [tilespmem:s24+$0xFFFFFF50]  }
0x15a: {  	v42 =	vxor.u32 v42, v47;
	v47 =	vshrl.u32 v43, $0x6;
	v49 =	vld [tilespmem:s24+$0xFFFFFF60]  }
0x15b: {  	v42 =	vshll.u32 v42, $0x4;
	v43 =	vxor.u32 v43, v47;
	v47 =	vshrl.u32 v44, $0x6;
	v50 =	vld [tilespmem:s24+$0xFFFFFF70]  }
0x15c: {  	v43 =	vshll.u32 v43, $0x4;
	v44 =	vxor.u32 v44, v47;
	v47 =	vshrl.u32 v45, $0x6;
	v51 =	vld [tilespmem:s24+$0x0]  }
0x15d: {  	v44 =	vshll.u32 v44, $0x4;
	v45 =	vxor.u32 v45, v47;
	v47 =	vshrl.u32 v46, $0x6;
	v52 =	vld [tilespmem:s24+$0x10]  }
0x15e: {  	v45 =	vshll.u32 v45, $0x4;
	v46 =	vxor.u32 v46, v47;
	v47 =	vshrl.u32 v48, $0x6;
	v53 =	vld [tilespmem:s24+$0x20]  }
0x15f: {  	v46 =	vshll.u32 v46, $0x4;
	v47 =	vxor.u32 v48, v47;
	v48 =	vshrl.u32 v49, $0x6;
	v54 =	vld [tilespmem:s24+$0x30]  }
0x160: {  	v47 =	vshll.u32 v47, $0x4;
	v48 =	vxor.u32 v49, v48;
	v49 =	vshrl.u32 v50, $0x6;
	v55 =	vld [tilespmem:s24+$0x40]  }
0x161: {  	v48 =	vshll.u32 v48, $0x4;
	v49 =	vxor.u32 v50, v49;
	v50 =	vshrl.u32 v51, $0x6;
	v56 =	vld [tilespmem:s24+$0x50]  }
0x162: {  	v49 =	vshll.u32 v49, $0x4;
	v50 =	vxor.u32 v51, v50;
	v51 =	vshrl.u32 v52, $0x6;
	v57 =	vld [tilespmem:s24+$0x60]  }
0x163: {  	v50 =	vshll.u32 v50, $0x4;
	v51 =	vxor.u32 v52, v51;
	v52 =	vshrl.u32 v53, $0x6;
	[tilespmem:v26+s16+$0x0] =	vst.idx.add.s32.msk $0xffff, v5;
	v5 =	vmovc v39  }
0x164: {  	v26 =	vshll.u32 v51, $0x4;
	v39 =	vxor.u32 v53, v52;
	v51 =	vshrl.u32 v54, $0x6;
	[tilespmem:v27+s16+$0x0] =	vst.idx.add.s32.msk $0xffff, v9;
	v9 =	vmovc v41  }
0x165: {  	v27 =	vshll.u32 v39, $0x4;
	v39 =	vxor.u32 v54, v51;
	v41 =	vshrl.u32 v55, $0x6;
	[tilespmem:v24+s16+$0x0] =	vst.idx.add.s32.msk $0xffff, v10;
	v10 =	vmovc v40  }
0x166: {  	v24 =	vshll.u32 v39, $0x4;
	v39 =	vxor.u32 v55, v41;
	v40 =	vshrl.u32 v56, $0x6;
	[tilespmem:v25+s16+$0x0] =	vst.idx.add.s32.msk $0xffff, v11;
	v11 =	vmovc v38  }
0x167: {  	v25 =	vshll.u32 v39, $0x4;
	v38 =	vxor.u32 v56, v40;
	v39 =	vshrl.u32 v57, $0x6;
	[tilespmem:v22+s16+$0x0] =	vst.idx.add.s32.msk $0xffff, v7;
	v7 =	vmovc v37  }
0x168: {  	v22 =	vand.u32 $0x3F0, v42;
	v37 =	vshll.u32 v38, $0x4;
	v38 =	vxor.u32 v57, v39;
	[tilespmem:v19+s16+$0x0] =	vst.idx.add.s32.msk $0xffff, v6;
	v6 =	vmovc v36  }
0x169: {  	v19 =	vand.u32 $0x3F0, v43;
	v36 =	vand.u32 $0x3F0, v44;
	v38 =	vshll.u32 v38, $0x4;
	[tilespmem:v20+s16+$0x0] =	vst.idx.add.s32.msk $0xffff, v8;
	v8 =	vmovc v35  }
0x16a: {  	v39 =	vand.u32 $0x3F0, v47;
	v20 =	vand.u32 $0x3F0, v45;
	v35 =	vand.u32 $0x3F0, v46;
	[tilespmem:v23+s16+$0x0] =	vst.idx.add.s32.msk $0xffff, v12;
	v12 =	vmovc v34  }
0x16b: {  	v40 =	vand.u32 $0x3F0, v50;
	v23 =	vand.u32 $0x3F0, v48;
	v34 =	vand.u32 $0x3F0, v49;
	[tilespmem:v21+s16+$0x0] =	vst.idx.add.s32.msk $0xffff, v13;
	v13 =	vmovc v33  }
0x16c: {  	v24 =	vand.u32 $0x3F0, v24;
	v21 =	vand.u32 $0x3F0, v26;
	v26 =	vand.u32 $0x3F0, v27;
	[tilespmem:v29+s16+$0x0] =	vst.idx.add.s32.msk $0xffff, v14;
	v14 =	vmovc v32  }
0x16d: {  	v25 =	vand.u32 $0x3F0, v25;
	v27 =	vand.u32 $0x3F0, v37;
	v29 =	vand.u32 $0x3F0, v38;
	[tilespmem:v28+s16+$0x0] =	vst.idx.add.s32.msk $0xffff, v15;
	v15 =	vmovc v31  }
0x16e: {  	v22 =	vor.u32 v3, v22;
	v19 =	vor.u32 v3, v19;
	v28 =	vor.u32 v3, v36  }
0x16f: {  	v20 =	vor.u32 v3, v20;
	v32 =	vor.u32 v3, v39;
	v31 =	vor.u32 v3, v35  }
0x170: {  	v23 =	vor.u32 v3, v23;
	v33 =	vor.u32 v3, v34;
	v34 =	vor.u32 v3, v40  }
0x171: {  	v24 =	vor.u32 v3, v24;
	v21 =	vor.u32 v3, v21;
	v26 =	vor.u32 v3, v26  }
0x172: {  	v25 =	vor.u32 v3, v25;
	v27 =	vor.u32 v3, v27;
	v29 =	vor.u32 v3, v29  }
0x173: {  	[tilespmem:v22+s16+$0x0] =	vst.idx.add.s32.msk $0xffff, v30  }
0x174: {  	[tilespmem:v19+s16+$0x0] =	vst.idx.add.s32.msk $0xffff, v16  }
0x175: {  	[tilespmem:v28+s16+$0x0] =	vst.idx.add.s32.msk $0xffff, v17  }
0x176: {  	[tilespmem:v20+s16+$0x0] =	vst.idx.add.s32.msk $0xffff, v18  }
0x177: {  	[tilespmem:v31+s16+$0x0] =	vst.idx.add.s32.msk $0xffff, v5  }
0x178: {  	[tilespmem:v32+s16+$0x0] =	vst.idx.add.s32.msk $0xffff, v9  }
0x179: {  	[tilespmem:v23+s16+$0x0] =	vst.idx.add.s32.msk $0xffff, v10  }
0x17a: {  	[tilespmem:v33+s16+$0x0] =	vst.idx.add.s32.msk $0xffff, v11  }
0x17b: {  	[tilespmem:v34+s16+$0x0] =	vst.idx.add.s32.msk $0xffff, v7  }
0x17c: {  	[tilespmem:v21+s16+$0x0] =	vst.idx.add.s32.msk $0xffff, v6  }
0x17d: {  	[tilespmem:v26+s16+$0x0] =	vst.idx.add.s32.msk $0xffff, v8  }
0x17e: {  	[tilespmem:v24+s16+$0x0] =	vst.idx.add.s32.msk $0xffff, v12  }
0x17f: {  	[tilespmem:v25+s16+$0x0] =	vst.idx.add.s32.msk $0xffff, v13  }
0x180: {  	[tilespmem:v27+s16+$0x0] =	vst.idx.add.s32.msk $0xffff, v14  }
0x181: {  	[tilespmem:v29+s16+$0x0] =	vst.idx.add.s32.msk $0xffff, v15  }
0x182: {  	v19 =	vld [tilespmem:s25+$0xFFFFFF00]  }
0x183: {  	v20 =	vld [tilespmem:s25+$0xFFFFFF10]  }
0x184: {  	v21 =	vld [tilespmem:s25+$0xFFFFFF20]  }
0x185: {  	v22 =	vld [tilespmem:s25+$0xFFFFFF30]  }
0x186: {  	v23 =	vld [tilespmem:s25+$0xFFFFFF40]  }
0x187: {  	v19 =	vshll.u32 v19, $0x4;
	v24 =	vld [tilespmem:s25+$0xFFFFFF50]  }
0x188: {  	v19 =	vadd.s32 v4, v19;
	v20 =	vshll.u32 v20, $0x4;
	v25 =	vld [tilespmem:s25+$0xFFFFFF60]  }
0x189: {  	v20 =	vadd.s32 v4, v20;
	v21 =	vshll.u32 v21, $0x4;
	v28 =	vld [tilespmem:s25+$0xFFFFFF70]  }
0x18a: {  	v21 =	vadd.s32 v4, v21;
	v22 =	vshll.u32 v22, $0x4;
	v29 =	vld [tilespmem:s25+$0x0]  }
0x18b: {  	v31 =	vadd.s32 v4, v22;
	v22 =	vshll.u32 v23, $0x4;
	v23 =	vld [tilespmem:s25+$0x10]  }
0x18c: {  	v26 =	vadd.s32 v4, v22;
	v22 =	vshll.u32 v24, $0x4;
	v32 =	vld [tilespmem:s25+$0x20]  }
0x18d: {  	v27 =	vadd.s32 v4, v22;
	v22 =	vshll.u32 v25, $0x4;
	v33 =	vld [tilespmem:s25+$0x30]  }
0x18e: {  	v24 =	vadd.s32 v4, v22;
	v22 =	vshll.u32 v28, $0x4;
	v34 =	vld [tilespmem:s25+$0x40]  }
0x18f: {  	v25 =	vadd.s32 v4, v22;
	v22 =	vshll.u32 v29, $0x4;
	v29 =	vld [tilespmem:s25+$0x50]  }
.Ltmp12:
0x190: {  	v22 =	vadd.s32 v4, v22;
	v23 =	vshll.u32 v23, $0x4;
	v28 =	vld [tilespmem:s25+$0x60];
	(pc) =	sbr.rel @p2 .LBB2_28-.Ltmp12, $4  }
0x191: {  	[tilespmem:v19+s16+$0x0] =	vst.idx.add.s32.msk $0xffff, v30;
	v19 =	vadd.s32 v4, v23;
	v23 =	vshll.u32 v32, $0x4  }
0x192: {  	[tilespmem:v20+s16+$0x0] =	vst.idx.add.s32.msk $0xffff, v16;
	v20 =	vadd.s32 v4, v23;
	v16 =	vshll.u32 v33, $0x4  }
0x193: {  	[tilespmem:v21+s16+$0x0] =	vst.idx.add.s32.msk $0xffff, v17;
	v23 =	vadd.s32 v4, v16;
	v16 =	vshll.u32 v34, $0x4  }
0x194: {  	s28 =	sadd.s32 $0x200, s28;
	[tilespmem:v31+s16+$0x0] =	vst.idx.add.s32.msk $0xffff, v18;
	v21 =	vadd.s32 v4, v16;
	v16 =	vshll.u32 v29, $0x4  }
0x195: {  	_ =	sdelay $0x3  }
0x196: {  	[tilespmem:v26+s16+$0x0] =	vst.idx.add.s32.msk $0xffff, v5  }
0x197: {  	[tilespmem:v27+s16+$0x0] =	vst.idx.add.s32.msk $0xffff, v9  }
0x198: {  	[tilespmem:v24+s16+$0x0] =	vst.idx.add.s32.msk $0xffff, v10  }
0x199: {  	[tilespmem:v25+s16+$0x0] =	vst.idx.add.s32.msk $0xffff, v11  }
0x19a: {  	v5 =	vadd.s32 v4, v16;
	v63 =	vshll.u32 v28, $0x4;
	[tilespmem:v22+s16+$0x0] =	vst.idx.add.s32.msk $0xffff, v7  }
0x19b: {  	[tilespmem:v19+s16+$0x0] =	vst.idx.add.s32.msk $0xffff, v6;
	v7 =	vadd.s32 v4, v63  }
0x19c: {  	[tilespmem:v20+s16+$0x0] =	vst.idx.add.s32.msk $0xffff, v8  }
0x19d: {  	[tilespmem:v23+s16+$0x0] =	vst.idx.add.s32.msk $0xffff, v12  }
0x19e: {  	[tilespmem:v21+s16+$0x0] =	vst.idx.add.s32.msk $0xffff, v13  }
0x19f: {  	[tilespmem:v5+s16+$0x0] =	vst.idx.add.s32.msk $0xffff, v14  }
0x1a0: {  	[tilespmem:v7+s16+$0x0] =	vst.idx.add.s32.msk $0xffff, v15  }
0x1a1: {  	p2 =	seq.s32 s21, $0x20  }
.Ltmp13:
0x1a2: {  	_ = 	snop;
	(pc) =	sbr.rel @!p2 .LBB2_15-.Ltmp13, $2  }
0x1a3: {  	_ =	sdelay $0x2  }
0x1a4: {  	p0 =	por !p0, !p0;
	p1 =	por !p1, !p1  }
0x1a5: {  	s20 =	sadd.s32 $0x1, s20  }
0x1a6: {  	p0 =	sne.s32 s20, s15  }
.Ltmp14:
0x1a7: {  	s0 =	simm.s32 $0x80;
	(pc) =	sbr.rel @p0 .LBB2_1-.Ltmp14, $4  }
0x1a8: {  	[hbm4b:s14+s0] =	stream.strided.scatter [tilespmem:s16], [sflag:$0x3], $0xC80, s18, s0, $0x38;
	[tilespmem:$0x14C80] =	vst v63  }
0x1a9: {  	_ =	swait.ge [sflag:s19], $0xC80  }
0x1aa: {  	[sflag:s19] =	ssyncset.done $0x0  }
0x1ab: {  	[sflag:s19] =	ssyncadd.s32 $0xFFFFF380  }
0x1ac: {  	_ =	sfence.sel $0x180000  }
0x1ad: {  	[bflag:$0x0] =	sbarrier.arrive $0xFFFF  }
0x1ae: {  	_ =	strace $0x90000047  }
0x1af: {  	s0 =	stileid.u32;
	[bflag:$0x2] =	sbarrier.arrive $0xFFFF  }
0x1b0: {  	p0 =	sne.s32 s0, $0x0;
	s0 =	rddreg [dreg:$0x5]  }
0x1b1: {  	s0 =	sadd.s32 @!p0 $0x100000, s0  }
0x1b2: {  	[sflag:s0] =	ssyncadd.tile.s32 @!p0 $0x1;
	_ =	shalt  }
.Lfunc_end2:
_tile_overlayer_lowered:
.L_overlay_start_2:
0x1b3: {  	(tag) =	ssettag $0x2  }
0x1b4: {  	s0 =	rddreg [dreg:$0x0];
	s2 =	stileid.u32  }
0x1b5: {  	s1 =	rddreg [dreg:$0x1];
	p0 =	sne.s32 s2, $0x0  }
0x1b6: {  	s3 =	rddreg [dreg:$0x2];
	[bflag:$0x3] =	sbarrier.arrive $0xFFFF;
	s2 =	simm.s32 @!p0 $0x1C03  }
0x1b7: {  	[timem:s3], [sflag:s2] =	dma.local @!p0 [hbm:s0], s1  }
0x1b8: {  	s0 =	simm.s32 @!p0 $0x3  }
0x1b9: {  	_ =	swait.ge @!p0 [sflag:s0], s1  }
0x1ba: {  	s1 =	ssub.s32 @!p0 $0x0, s1;
	[sflag:s0] =	ssyncset.done @!p0 $0x0  }
0x1bb: {  	[sflag:s0] =	ssyncadd.s32 @!p0 s1  }
0x1bc: {  	[bflag:$0x3] =	sbarrier.arrive $0xFFFF  }
0x1bd: {  	_ =	shalt  }

</sc_bundles>
